<compile_context>
chip_gen: v7x
topology: tpu7x:2x2x1
jax: 0.10.2.dev20260603
libtpu: 0.0.44.dev20260713+nightly
codegen_flags: <defaults>
</compile_context>

<pallas_src>
import functools

import jax
import jax.numpy as jnp
from jax import lax
from jax.experimental import pallas as pl
from jax.experimental.pallas import tpu as pltpu
from jax.experimental.pallas import tpu_sc as plsc

VOCAB = 1000
EMBED_DIM = 4000
PAD_DIM = 4096
MAIN = 3968
BATCH = 4096

_info = plsc.get_sparse_core_info()
_NC, _NS = _info.num_cores, _info.num_subcores
NW = _NC * _NS
BPW = BATCH // NW
CH = 16
NCHUNK = BPW // CH
NBUF = 2
TBUF = 1


def _body(idx_hbm, table_hbm, tail_tbl_hbm, out_hbm, idx_v, *refs):
    mbufs = refs[:NBUF]
    tbufs = refs[NBUF:NBUF + TBUF]
    r = NBUF + TBUF
    gsems = refs[r:r + NBUF]
    hsems = refs[r + NBUF:r + NBUF + TBUF]
    osems = refs[r + NBUF + TBUF:r + 2 * NBUF + TBUF]
    tsems = refs[r + 2 * NBUF + TBUF:r + 2 * NBUF + 2 * TBUF]

    wid = lax.axis_index("s") * _NC + lax.axis_index("c")
    base = wid * BPW

    pltpu.sync_copy(idx_hbm.at[pl.ds(base, BPW)], idx_v)

    def gather_main(c, s):
        ids = idx_v.at[pl.ds(c * CH, CH)]
        return pltpu.async_copy(
            table_hbm.at[ids, pl.ds(0, MAIN)], mbufs[s], gsems[s])

    def gather_tail(c, t):
        ids = idx_v.at[pl.ds(c * CH, CH)]
        return pltpu.async_copy(tail_tbl_hbm.at[ids], tbufs[t], hsems[t])

    gm = [gather_main(s, s) for s in range(NBUF)]
    gt = [gather_tail(t, t) for t in range(TBUF)]
    om = [None] * NBUF
    ot = [None] * TBUF
    for c in range(NCHUNK):
        s, t = c % NBUF, c % TBUF
        rows = pl.ds(base + c * CH, CH)
        gm[s].wait()
        gt[t].wait()
        om[s] = pltpu.async_copy(
            mbufs[s], out_hbm.at[rows, pl.ds(0, MAIN)], osems[s])
        ot[t] = pltpu.async_copy(
            tbufs[t], out_hbm.at[rows, pl.ds(MAIN, 128)], tsems[t])
        if c + TBUF < NCHUNK:
            ot[t].wait()
            gt[t] = gather_tail(c + TBUF, t)
        if c + NBUF < NCHUNK:
            om[s].wait()
            gm[s] = gather_main(c + NBUF, s)
    for s in range(NBUF):
        om[s].wait()
    for t in range(TBUF):
        ot[t].wait()


def _make_call():
    mesh = plsc.VectorSubcoreMesh(core_axis_name="c", subcore_axis_name="s")
    return functools.partial(
        pl.kernel,
        mesh=mesh,
        out_type=jax.ShapeDtypeStruct((BATCH, PAD_DIM), jnp.float32),
        scratch_types=(
            [pltpu.VMEM((BPW,), jnp.int32)]
            + [pltpu.VMEM((CH, MAIN), jnp.float32)] * NBUF
            + [pltpu.VMEM((CH, 128), jnp.float32)] * TBUF
            + [pltpu.SemaphoreType.DMA] * (2 * NBUF + 2 * TBUF)
        ),
    )(_body)


_gather_call = _make_call()


def kernel(tokens, embedding_table):
    idx = tokens.astype(jnp.int32)
    tail_tbl = jnp.pad(
        lax.slice(embedding_table, (0, MAIN), (VOCAB, EMBED_DIM)),
        ((0, 0), (0, 128 - (EMBED_DIM - MAIN))))
    out_p = _gather_call(idx, embedding_table, tail_tbl)
    return out_p[:, :EMBED_DIM]

# --- scband reference (transcript-rebuilt; emitter-appended) ---
"""Pipeline reference for scband-ppmi-37787122270379 (READ-ONLY COPY).

The authoritative reference and input builder live on the scoring server;
editing this copy changes nothing except your own understanding.
"""

import jax, jax.numpy as jnp
import numpy as np

VOCAB_SIZE = 1000
CONTEXT_SIZE = 5
EMBED_DIM = (CONTEXT_SIZE - 1) * VOCAB_SIZE  # 4000
BATCH = 4096


def setup_inputs(seed: int = 0) -> dict:
    key = jax.random.key(seed)
    k1, k2 = jax.random.split(key)
    tokens = jax.random.randint(k1, (BATCH,), 0, VOCAB_SIZE, dtype=jnp.int64)
    # PPMI values are non-negative (ppmi.clip(0)); emulate a fitted PPMI matrix
    # stored densely (the torch module stores it as sparse CSR, but the math of
    # transform() is a plain row gather either way).
    raw = jax.random.normal(k2, (VOCAB_SIZE, EMBED_DIM), dtype=jnp.float32)
    embedding_table = jnp.clip(raw, 0.0, None)
    return {"tokens": tokens, "embedding_table": embedding_table}


def reference(tokens, embedding_table):
    # transform(): torch.stack([self.embedding[token] for token in tokens])
    # == row gather from the (vocab_size, embed_dim) PPMI matrix.
    return jnp.take(embedding_table, tokens, axis=0)

if __name__ == "__main__":
    import jax
    _d = setup_inputs()
    print(jax.jit(kernel)(*tuple(_d.values())))

</pallas_src>

<mosaic_0001>
#map = affine_map<(d0, d1) -> (0)>
#map1 = affine_map<(d0, d1) -> (0, 0)>
module attributes {stable_mosaic.version = 14 : i64} {
  func.func @_body(%arg0: i32, %arg1: i32, %arg2: memref<4096xi32, #tpu.memory_space<hbm>>, %arg3: memref<1000x4000xf32, #tpu.memory_space<hbm>>, %arg4: memref<1000x128xf32, #tpu.memory_space<hbm>>, %arg5: memref<4096x4096xf32, #tpu.memory_space<hbm>>, %arg6: memref<128xi32, #tpu.memory_space<vmem>>, %arg7: memref<16x3968xf32, #tpu.memory_space<vmem>>, %arg8: memref<16x3968xf32, #tpu.memory_space<vmem>>, %arg9: memref<16x128xf32, #tpu.memory_space<vmem>>, %arg10: memref<!tpu.dma_semaphore, #tpu.memory_space<semaphore_mem>>, %arg11: memref<!tpu.dma_semaphore, #tpu.memory_space<semaphore_mem>>, %arg12: memref<!tpu.dma_semaphore, #tpu.memory_space<semaphore_mem>>, %arg13: memref<!tpu.dma_semaphore, #tpu.memory_space<semaphore_mem>>, %arg14: memref<!tpu.dma_semaphore, #tpu.memory_space<semaphore_mem>>, %arg15: memref<!tpu.dma_semaphore, #tpu.memory_space<semaphore_mem>>) attributes {dimension_semantics = [#tpu.dimension_semantics<core_parallel>, #tpu.dimension_semantics<subcore_parallel>], iteration_bounds = array<i64: 2, 16>, scalar_prefetch = 0 : i64, scratch_operands = 10 : i64, tpu.core_type = #tpu.core_type<sc_vector_subcore>, window_params = [{transform_indices = #map}, {transform_indices = #map1}, {transform_indices = #map1}, {transform_indices = #map1}]} {
    %mul3A = arith.constant 2 : i32
    %mul3A_0 = arith.muli %arg1, %mul3A : i32
    %add3A = arith.addi %mul3A_0, %arg0 : i32
    %mul3A_1 = arith.constant 128 : i32
    %mul3A_2 = arith.muli %add3A, %mul3A_1 : i32
    "tpu.region"() ({
      %run_scoped3A = tpu.sem_alloc : memref<!tpu.dma_semaphore, #tpu.memory_space<semaphore_mem>>
      %dma_start3A_305 = tpu.memref_slice %arg2[%mul3A_2] : memref<4096xi32, #tpu.memory_space<hbm>> -> memref<128xi32, #tpu.memory_space<hbm>>
      %dma_start3A_306 = tpu.memref_slice %arg2[%mul3A_2] : memref<4096xi32, #tpu.memory_space<hbm>> -> memref<128xi32, #tpu.memory_space<hbm>>
      tpu.enqueue_dma source(%dma_start3A_306 : memref<128xi32, #tpu.memory_space<hbm>>) target(%arg6 : memref<128xi32, #tpu.memory_space<vmem>>) target_semaphore(%run_scoped3A : memref<!tpu.dma_semaphore, #tpu.memory_space<semaphore_mem>>)
      %dma_wait3A_307 = tpu.memref_slice %arg2[%mul3A_2] : memref<4096xi32, #tpu.memory_space<hbm>> -> memref<128xi32, #tpu.memory_space<hbm>>
      %dma_wait3A_308 = tpu.memref_slice %arg2[%mul3A_2] : memref<4096xi32, #tpu.memory_space<hbm>> -> memref<128xi32, #tpu.memory_space<hbm>>
      tpu.wait_dma2 semaphore(%run_scoped3A : memref<!tpu.dma_semaphore, #tpu.memory_space<semaphore_mem>>) src(%dma_wait3A_308 : memref<128xi32, #tpu.memory_space<hbm>>) dst(%arg6 : memref<128xi32, #tpu.memory_space<vmem>>)
      tpu.yield
    }) : () -> ()
    %dma_start3A = arith.constant 0 : i32
    %dma_start3A_3 = tpu.memref_slice %arg6[%dma_start3A] : memref<128xi32, #tpu.memory_space<vmem>> -> memref<16xi32, #tpu.memory_space<vmem>>
    %dma_start3A_4 = arith.constant 0 : i32
    %dma_start3A_5 = arith.constant 0 : i32
    %dma_start3A_6 = tpu.memref_slice %arg3[%dma_start3A_4, %dma_start3A_5] : memref<1000x4000xf32, #tpu.memory_space<hbm>> -> memref<1000x3968xf32, #tpu.memory_space<hbm>>
    tpu.enqueue_indirect_dma source(%dma_start3A_6 : memref<1000x3968xf32, #tpu.memory_space<hbm>>) target(%arg7 : memref<16x3968xf32, #tpu.memory_space<vmem>>) offsets(%dma_start3A_3 : memref<16xi32, #tpu.memory_space<vmem>>) semaphore(%arg10 : memref<!tpu.dma_semaphore, #tpu.memory_space<semaphore_mem>>)
    %dma_start3A_7 = arith.constant 16 : i32
    %dma_start3A_8 = tpu.memref_slice %arg6[%dma_start3A_7] : memref<128xi32, #tpu.memory_space<vmem>> -> memref<16xi32, #tpu.memory_space<vmem>>
    %dma_start3A_9 = arith.constant 0 : i32
    %dma_start3A_10 = arith.constant 0 : i32
    %dma_start3A_11 = tpu.memref_slice %arg3[%dma_start3A_9, %dma_start3A_10] : memref<1000x4000xf32, #tpu.memory_space<hbm>> -> memref<1000x3968xf32, #tpu.memory_space<hbm>>
    tpu.enqueue_indirect_dma source(%dma_start3A_11 : memref<1000x3968xf32, #tpu.memory_space<hbm>>) target(%arg8 : memref<16x3968xf32, #tpu.memory_space<vmem>>) offsets(%dma_start3A_8 : memref<16xi32, #tpu.memory_space<vmem>>) semaphore(%arg11 : memref<!tpu.dma_semaphore, #tpu.memory_space<semaphore_mem>>)
    %dma_start3A_12 = arith.constant 0 : i32
    %dma_start3A_13 = tpu.memref_slice %arg6[%dma_start3A_12] : memref<128xi32, #tpu.memory_space<vmem>> -> memref<16xi32, #tpu.memory_space<vmem>>
    %dma_start3A_14 = arith.constant 0 : i32
    %dma_start3A_15 = arith.constant 0 : i32
    %dma_start3A_16 = tpu.memref_slice %arg4[%dma_start3A_14, %dma_start3A_15] : memref<1000x128xf32, #tpu.memory_space<hbm>> -> memref<1000x128xf32, #tpu.memory_space<hbm>>
    tpu.enqueue_indirect_dma source(%dma_start3A_16 : memref<1000x128xf32, #tpu.memory_space<hbm>>) target(%arg9 : memref<16x128xf32, #tpu.memory_space<vmem>>) offsets(%dma_start3A_13 : memref<16xi32, #tpu.memory_space<vmem>>) semaphore(%arg12 : memref<!tpu.dma_semaphore, #tpu.memory_space<semaphore_mem>>)
    %add3A_17 = arith.constant 0 : i32
    %add3A_18 = arith.addi %mul3A_2, %add3A_17 : i32
    %dma_wait3A = arith.constant 0 : i32
    %dma_wait3A_19 = tpu.memref_slice %arg6[%dma_wait3A] : memref<128xi32, #tpu.memory_space<vmem>> -> memref<16xi32, #tpu.memory_space<vmem>>
    %dma_wait3A_20 = arith.constant 0 : i32
    %dma_wait3A_21 = arith.constant 0 : i32
    %dma_wait3A_22 = tpu.memref_slice %arg3[%dma_wait3A_20, %dma_wait3A_21] : memref<1000x4000xf32, #tpu.memory_space<hbm>> -> memref<1000x3968xf32, #tpu.memory_space<hbm>>
    tpu.wait_indirect_dma semaphore(%arg10 : memref<!tpu.dma_semaphore, #tpu.memory_space<semaphore_mem>>) src(%dma_wait3A_22 : memref<1000x3968xf32, #tpu.memory_space<hbm>>) dst(%arg7 : memref<16x3968xf32, #tpu.memory_space<vmem>>)
    %dma_wait3A_23 = arith.constant 0 : i32
    %dma_wait3A_24 = tpu.memref_slice %arg6[%dma_wait3A_23] : memref<128xi32, #tpu.memory_space<vmem>> -> memref<16xi32, #tpu.memory_space<vmem>>
    %dma_wait3A_25 = arith.constant 0 : i32
    %dma_wait3A_26 = arith.constant 0 : i32
    %dma_wait3A_27 = tpu.memref_slice %arg4[%dma_wait3A_25, %dma_wait3A_26] : memref<1000x128xf32, #tpu.memory_space<hbm>> -> memref<1000x128xf32, #tpu.memory_space<hbm>>
    tpu.wait_indirect_dma semaphore(%arg12 : memref<!tpu.dma_semaphore, #tpu.memory_space<semaphore_mem>>) src(%dma_wait3A_27 : memref<1000x128xf32, #tpu.memory_space<hbm>>) dst(%arg9 : memref<16x128xf32, #tpu.memory_space<vmem>>)
    %dma_start3A_28 = arith.constant 0 : i32
    %dma_start3A_29 = tpu.memref_slice %arg5[%add3A_18, %dma_start3A_28] : memref<4096x4096xf32, #tpu.memory_space<hbm>> -> memref<16x3968xf32, #tpu.memory_space<hbm>>
    %dma_start3A_30 = arith.constant 0 : i32
    %dma_start3A_31 = tpu.memref_slice %arg5[%add3A_18, %dma_start3A_30] : memref<4096x4096xf32, #tpu.memory_space<hbm>> -> memref<16x3968xf32, #tpu.memory_space<hbm>>
    tpu.enqueue_dma source(%arg7 : memref<16x3968xf32, #tpu.memory_space<vmem>>) target(%dma_start3A_31 : memref<16x3968xf32, #tpu.memory_space<hbm>>) target_semaphore(%arg13 : memref<!tpu.dma_semaphore, #tpu.memory_space<semaphore_mem>>)
    %dma_start3A_32 = arith.constant 3968 : i32
    %dma_start3A_33 = tpu.memref_slice %arg5[%add3A_18, %dma_start3A_32] : memref<4096x4096xf32, #tpu.memory_space<hbm>> -> memref<16x128xf32, #tpu.memory_space<hbm>>
    %dma_start3A_34 = arith.constant 3968 : i32
    %dma_start3A_35 = tpu.memref_slice %arg5[%add3A_18, %dma_start3A_34] : memref<4096x4096xf32, #tpu.memory_space<hbm>> -> memref<16x128xf32, #tpu.memory_space<hbm>>
    tpu.enqueue_dma source(%arg9 : memref<16x128xf32, #tpu.memory_space<vmem>>) target(%dma_start3A_35 : memref<16x128xf32, #tpu.memory_space<hbm>>) target_semaphore(%arg15 : memref<!tpu.dma_semaphore, #tpu.memory_space<semaphore_mem>>)
    %dma_wait3A_36 = arith.constant 3968 : i32
    %dma_wait3A_37 = tpu.memref_slice %arg5[%add3A_18, %dma_wait3A_36] : memref<4096x4096xf32, #tpu.memory_space<hbm>> -> memref<16x128xf32, #tpu.memory_space<hbm>>
    %dma_wait3A_38 = arith.constant 3968 : i32
    %dma_wait3A_39 = tpu.memref_slice %arg5[%add3A_18, %dma_wait3A_38] : memref<4096x4096xf32, #tpu.memory_space<hbm>> -> memref<16x128xf32, #tpu.memory_space<hbm>>
    tpu.wait_dma2 semaphore(%arg15 : memref<!tpu.dma_semaphore, #tpu.memory_space<semaphore_mem>>) src(%arg9 : memref<16x128xf32, #tpu.memory_space<vmem>>) dst(%dma_wait3A_39 : memref<16x128xf32, #tpu.memory_space<hbm>>)
    %dma_start3A_40 = arith.constant 16 : i32
    %dma_start3A_41 = tpu.memref_slice %arg6[%dma_start3A_40] : memref<128xi32, #tpu.memory_space<vmem>> -> memref<16xi32, #tpu.memory_space<vmem>>
    %dma_start3A_42 = arith.constant 0 : i32
    %dma_start3A_43 = arith.constant 0 : i32
    %dma_start3A_44 = tpu.memref_slice %arg4[%dma_start3A_42, %dma_start3A_43] : memref<1000x128xf32, #tpu.memory_space<hbm>> -> memref<1000x128xf32, #tpu.memory_space<hbm>>
    tpu.enqueue_indirect_dma source(%dma_start3A_44 : memref<1000x128xf32, #tpu.memory_space<hbm>>) target(%arg9 : memref<16x128xf32, #tpu.memory_space<vmem>>) offsets(%dma_start3A_41 : memref<16xi32, #tpu.memory_space<vmem>>) semaphore(%arg12 : memref<!tpu.dma_semaphore, #tpu.memory_space<semaphore_mem>>)
    %dma_wait3A_45 = arith.constant 0 : i32
    %dma_wait3A_46 = tpu.memref_slice %arg5[%add3A_18, %dma_wait3A_45] : memref<4096x4096xf32, #tpu.memory_space<hbm>> -> memref<16x3968xf32, #tpu.memory_space<hbm>>
    %dma_wait3A_47 = arith.constant 0 : i32
    %dma_wait3A_48 = tpu.memref_slice %arg5[%add3A_18, %dma_wait3A_47] : memref<4096x4096xf32, #tpu.memory_space<hbm>> -> memref<16x3968xf32, #tpu.memory_space<hbm>>
    tpu.wait_dma2 semaphore(%arg13 : memref<!tpu.dma_semaphore, #tpu.memory_space<semaphore_mem>>) src(%arg7 : memref<16x3968xf32, #tpu.memory_space<vmem>>) dst(%dma_wait3A_48 : memref<16x3968xf32, #tpu.memory_space<hbm>>)
    %dma_start3A_49 = arith.constant 32 : i32
    %dma_start3A_50 = tpu.memref_slice %arg6[%dma_start3A_49] : memref<128xi32, #tpu.memory_space<vmem>> -> memref<16xi32, #tpu.memory_space<vmem>>
    %dma_start3A_51 = arith.constant 0 : i32
    %dma_start3A_52 = arith.constant 0 : i32
    %dma_start3A_53 = tpu.memref_slice %arg3[%dma_start3A_51, %dma_start3A_52] : memref<1000x4000xf32, #tpu.memory_space<hbm>> -> memref<1000x3968xf32, #tpu.memory_space<hbm>>
    tpu.enqueue_indirect_dma source(%dma_start3A_53 : memref<1000x3968xf32, #tpu.memory_space<hbm>>) target(%arg7 : memref<16x3968xf32, #tpu.memory_space<vmem>>) offsets(%dma_start3A_50 : memref<16xi32, #tpu.memory_space<vmem>>) semaphore(%arg10 : memref<!tpu.dma_semaphore, #tpu.memory_space<semaphore_mem>>)
    %add3A_54 = arith.constant 16 : i32
    %add3A_55 = arith.addi %mul3A_2, %add3A_54 : i32
    %dma_wait3A_56 = arith.constant 16 : i32
    %dma_wait3A_57 = tpu.memref_slice %arg6[%dma_wait3A_56] : memref<128xi32, #tpu.memory_space<vmem>> -> memref<16xi32, #tpu.memory_space<vmem>>
    %dma_wait3A_58 = arith.constant 0 : i32
    %dma_wait3A_59 = arith.constant 0 : i32
    %dma_wait3A_60 = tpu.memref_slice %arg3[%dma_wait3A_58, %dma_wait3A_59] : memref<1000x4000xf32, #tpu.memory_space<hbm>> -> memref<1000x3968xf32, #tpu.memory_space<hbm>>
    tpu.wait_indirect_dma semaphore(%arg11 : memref<!tpu.dma_semaphore, #tpu.memory_space<semaphore_mem>>) src(%dma_wait3A_60 : memref<1000x3968xf32, #tpu.memory_space<hbm>>) dst(%arg8 : memref<16x3968xf32, #tpu.memory_space<vmem>>)
    %dma_wait3A_61 = arith.constant 16 : i32
    %dma_wait3A_62 = tpu.memref_slice %arg6[%dma_wait3A_61] : memref<128xi32, #tpu.memory_space<vmem>> -> memref<16xi32, #tpu.memory_space<vmem>>
    %dma_wait3A_63 = arith.constant 0 : i32
    %dma_wait3A_64 = arith.constant 0 : i32
    %dma_wait3A_65 = tpu.memref_slice %arg4[%dma_wait3A_63, %dma_wait3A_64] : memref<1000x128xf32, #tpu.memory_space<hbm>> -> memref<1000x128xf32, #tpu.memory_space<hbm>>
    tpu.wait_indirect_dma semaphore(%arg12 : memref<!tpu.dma_semaphore, #tpu.memory_space<semaphore_mem>>) src(%dma_wait3A_65 : memref<1000x128xf32, #tpu.memory_space<hbm>>) dst(%arg9 : memref<16x128xf32, #tpu.memory_space<vmem>>)
    %dma_start3A_66 = arith.constant 0 : i32
    %dma_start3A_67 = tpu.memref_slice %arg5[%add3A_55, %dma_start3A_66] : memref<4096x4096xf32, #tpu.memory_space<hbm>> -> memref<16x3968xf32, #tpu.memory_space<hbm>>
    %dma_start3A_68 = arith.constant 0 : i32
    %dma_start3A_69 = tpu.memref_slice %arg5[%add3A_55, %dma_start3A_68] : memref<4096x4096xf32, #tpu.memory_space<hbm>> -> memref<16x3968xf32, #tpu.memory_space<hbm>>
    tpu.enqueue_dma source(%arg8 : memref<16x3968xf32, #tpu.memory_space<vmem>>) target(%dma_start3A_69 : memref<16x3968xf32, #tpu.memory_space<hbm>>) target_semaphore(%arg14 : memref<!tpu.dma_semaphore, #tpu.memory_space<semaphore_mem>>)
    %dma_start3A_70 = arith.constant 3968 : i32
    %dma_start3A_71 = tpu.memref_slice %arg5[%add3A_55, %dma_start3A_70] : memref<4096x4096xf32, #tpu.memory_space<hbm>> -> memref<16x128xf32, #tpu.memory_space<hbm>>
    %dma_start3A_72 = arith.constant 3968 : i32
    %dma_start3A_73 = tpu.memref_slice %arg5[%add3A_55, %dma_start3A_72] : memref<4096x4096xf32, #tpu.memory_space<hbm>> -> memref<16x128xf32, #tpu.memory_space<hbm>>
    tpu.enqueue_dma source(%arg9 : memref<16x128xf32, #tpu.memory_space<vmem>>) target(%dma_start3A_73 : memref<16x128xf32, #tpu.memory_space<hbm>>) target_semaphore(%arg15 : memref<!tpu.dma_semaphore, #tpu.memory_space<semaphore_mem>>)
    %dma_wait3A_74 = arith.constant 3968 : i32
    %dma_wait3A_75 = tpu.memref_slice %arg5[%add3A_55, %dma_wait3A_74] : memref<4096x4096xf32, #tpu.memory_space<hbm>> -> memref<16x128xf32, #tpu.memory_space<hbm>>
    %dma_wait3A_76 = arith.constant 3968 : i32
    %dma_wait3A_77 = tpu.memref_slice %arg5[%add3A_55, %dma_wait3A_76] : memref<4096x4096xf32, #tpu.memory_space<hbm>> -> memref<16x128xf32, #tpu.memory_space<hbm>>
    tpu.wait_dma2 semaphore(%arg15 : memref<!tpu.dma_semaphore, #tpu.memory_space<semaphore_mem>>) src(%arg9 : memref<16x128xf32, #tpu.memory_space<vmem>>) dst(%dma_wait3A_77 : memref<16x128xf32, #tpu.memory_space<hbm>>)
    %dma_start3A_78 = arith.constant 32 : i32
    %dma_start3A_79 = tpu.memref_slice %arg6[%dma_start3A_78] : memref<128xi32, #tpu.memory_space<vmem>> -> memref<16xi32, #tpu.memory_space<vmem>>
    %dma_start3A_80 = arith.constant 0 : i32
    %dma_start3A_81 = arith.constant 0 : i32
    %dma_start3A_82 = tpu.memref_slice %arg4[%dma_start3A_80, %dma_start3A_81] : memref<1000x128xf32, #tpu.memory_space<hbm>> -> memref<1000x128xf32, #tpu.memory_space<hbm>>
    tpu.enqueue_indirect_dma source(%dma_start3A_82 : memref<1000x128xf32, #tpu.memory_space<hbm>>) target(%arg9 : memref<16x128xf32, #tpu.memory_space<vmem>>) offsets(%dma_start3A_79 : memref<16xi32, #tpu.memory_space<vmem>>) semaphore(%arg12 : memref<!tpu.dma_semaphore, #tpu.memory_space<semaphore_mem>>)
    %dma_wait3A_83 = arith.constant 0 : i32
    %dma_wait3A_84 = tpu.memref_slice %arg5[%add3A_55, %dma_wait3A_83] : memref<4096x4096xf32, #tpu.memory_space<hbm>> -> memref<16x3968xf32, #tpu.memory_space<hbm>>
    %dma_wait3A_85 = arith.constant 0 : i32
    %dma_wait3A_86 = tpu.memref_slice %arg5[%add3A_55, %dma_wait3A_85] : memref<4096x4096xf32, #tpu.memory_space<hbm>> -> memref<16x3968xf32, #tpu.memory_space<hbm>>
    tpu.wait_dma2 semaphore(%arg14 : memref<!tpu.dma_semaphore, #tpu.memory_space<semaphore_mem>>) src(%arg8 : memref<16x3968xf32, #tpu.memory_space<vmem>>) dst(%dma_wait3A_86 : memref<16x3968xf32, #tpu.memory_space<hbm>>)
    %dma_start3A_87 = arith.constant 48 : i32
    %dma_start3A_88 = tpu.memref_slice %arg6[%dma_start3A_87] : memref<128xi32, #tpu.memory_space<vmem>> -> memref<16xi32, #tpu.memory_space<vmem>>
    %dma_start3A_89 = arith.constant 0 : i32
    %dma_start3A_90 = arith.constant 0 : i32
    %dma_start3A_91 = tpu.memref_slice %arg3[%dma_start3A_89, %dma_start3A_90] : memref<1000x4000xf32, #tpu.memory_space<hbm>> -> memref<1000x3968xf32, #tpu.memory_space<hbm>>
    tpu.enqueue_indirect_dma source(%dma_start3A_91 : memref<1000x3968xf32, #tpu.memory_space<hbm>>) target(%arg8 : memref<16x3968xf32, #tpu.memory_space<vmem>>) offsets(%dma_start3A_88 : memref<16xi32, #tpu.memory_space<vmem>>) semaphore(%arg11 : memref<!tpu.dma_semaphore, #tpu.memory_space<semaphore_mem>>)
    %add3A_92 = arith.constant 32 : i32
    %add3A_93 = arith.addi %mul3A_2, %add3A_92 : i32
    %dma_wait3A_94 = arith.constant 32 : i32
    %dma_wait3A_95 = tpu.memref_slice %arg6[%dma_wait3A_94] : memref<128xi32, #tpu.memory_space<vmem>> -> memref<16xi32, #tpu.memory_space<vmem>>
    %dma_wait3A_96 = arith.constant 0 : i32
    %dma_wait3A_97 = arith.constant 0 : i32
    %dma_wait3A_98 = tpu.memref_slice %arg3[%dma_wait3A_96, %dma_wait3A_97] : memref<1000x4000xf32, #tpu.memory_space<hbm>> -> memref<1000x3968xf32, #tpu.memory_space<hbm>>
    tpu.wait_indirect_dma semaphore(%arg10 : memref<!tpu.dma_semaphore, #tpu.memory_space<semaphore_mem>>) src(%dma_wait3A_98 : memref<1000x3968xf32, #tpu.memory_space<hbm>>) dst(%arg7 : memref<16x3968xf32, #tpu.memory_space<vmem>>)
    %dma_wait3A_99 = arith.constant 32 : i32
    %dma_wait3A_100 = tpu.memref_slice %arg6[%dma_wait3A_99] : memref<128xi32, #tpu.memory_space<vmem>> -> memref<16xi32, #tpu.memory_space<vmem>>
    %dma_wait3A_101 = arith.constant 0 : i32
    %dma_wait3A_102 = arith.constant 0 : i32
    %dma_wait3A_103 = tpu.memref_slice %arg4[%dma_wait3A_101, %dma_wait3A_102] : memref<1000x128xf32, #tpu.memory_space<hbm>> -> memref<1000x128xf32, #tpu.memory_space<hbm>>
    tpu.wait_indirect_dma semaphore(%arg12 : memref<!tpu.dma_semaphore, #tpu.memory_space<semaphore_mem>>) src(%dma_wait3A_103 : memref<1000x128xf32, #tpu.memory_space<hbm>>) dst(%arg9 : memref<16x128xf32, #tpu.memory_space<vmem>>)
    %dma_start3A_104 = arith.constant 0 : i32
    %dma_start3A_105 = tpu.memref_slice %arg5[%add3A_93, %dma_start3A_104] : memref<4096x4096xf32, #tpu.memory_space<hbm>> -> memref<16x3968xf32, #tpu.memory_space<hbm>>
    %dma_start3A_106 = arith.constant 0 : i32
    %dma_start3A_107 = tpu.memref_slice %arg5[%add3A_93, %dma_start3A_106] : memref<4096x4096xf32, #tpu.memory_space<hbm>> -> memref<16x3968xf32, #tpu.memory_space<hbm>>
    tpu.enqueue_dma source(%arg7 : memref<16x3968xf32, #tpu.memory_space<vmem>>) target(%dma_start3A_107 : memref<16x3968xf32, #tpu.memory_space<hbm>>) target_semaphore(%arg13 : memref<!tpu.dma_semaphore, #tpu.memory_space<semaphore_mem>>)
    %dma_start3A_108 = arith.constant 3968 : i32
    %dma_start3A_109 = tpu.memref_slice %arg5[%add3A_93, %dma_start3A_108] : memref<4096x4096xf32, #tpu.memory_space<hbm>> -> memref<16x128xf32, #tpu.memory_space<hbm>>
    %dma_start3A_110 = arith.constant 3968 : i32
    %dma_start3A_111 = tpu.memref_slice %arg5[%add3A_93, %dma_start3A_110] : memref<4096x4096xf32, #tpu.memory_space<hbm>> -> memref<16x128xf32, #tpu.memory_space<hbm>>
    tpu.enqueue_dma source(%arg9 : memref<16x128xf32, #tpu.memory_space<vmem>>) target(%dma_start3A_111 : memref<16x128xf32, #tpu.memory_space<hbm>>) target_semaphore(%arg15 : memref<!tpu.dma_semaphore, #tpu.memory_space<semaphore_mem>>)
    %dma_wait3A_112 = arith.constant 3968 : i32
    %dma_wait3A_113 = tpu.memref_slice %arg5[%add3A_93, %dma_wait3A_112] : memref<4096x4096xf32, #tpu.memory_space<hbm>> -> memref<16x128xf32, #tpu.memory_space<hbm>>
    %dma_wait3A_114 = arith.constant 3968 : i32
    %dma_wait3A_115 = tpu.memref_slice %arg5[%add3A_93, %dma_wait3A_114] : memref<4096x4096xf32, #tpu.memory_space<hbm>> -> memref<16x128xf32, #tpu.memory_space<hbm>>
    tpu.wait_dma2 semaphore(%arg15 : memref<!tpu.dma_semaphore, #tpu.memory_space<semaphore_mem>>) src(%arg9 : memref<16x128xf32, #tpu.memory_space<vmem>>) dst(%dma_wait3A_115 : memref<16x128xf32, #tpu.memory_space<hbm>>)
    %dma_start3A_116 = arith.constant 48 : i32
    %dma_start3A_117 = tpu.memref_slice %arg6[%dma_start3A_116] : memref<128xi32, #tpu.memory_space<vmem>> -> memref<16xi32, #tpu.memory_space<vmem>>
    %dma_start3A_118 = arith.constant 0 : i32
    %dma_start3A_119 = arith.constant 0 : i32
    %dma_start3A_120 = tpu.memref_slice %arg4[%dma_start3A_118, %dma_start3A_119] : memref<1000x128xf32, #tpu.memory_space<hbm>> -> memref<1000x128xf32, #tpu.memory_space<hbm>>
    tpu.enqueue_indirect_dma source(%dma_start3A_120 : memref<1000x128xf32, #tpu.memory_space<hbm>>) target(%arg9 : memref<16x128xf32, #tpu.memory_space<vmem>>) offsets(%dma_start3A_117 : memref<16xi32, #tpu.memory_space<vmem>>) semaphore(%arg12 : memref<!tpu.dma_semaphore, #tpu.memory_space<semaphore_mem>>)
    %dma_wait3A_121 = arith.constant 0 : i32
    %dma_wait3A_122 = tpu.memref_slice %arg5[%add3A_93, %dma_wait3A_121] : memref<4096x4096xf32, #tpu.memory_space<hbm>> -> memref<16x3968xf32, #tpu.memory_space<hbm>>
    %dma_wait3A_123 = arith.constant 0 : i32
    %dma_wait3A_124 = tpu.memref_slice %arg5[%add3A_93, %dma_wait3A_123] : memref<4096x4096xf32, #tpu.memory_space<hbm>> -> memref<16x3968xf32, #tpu.memory_space<hbm>>
    tpu.wait_dma2 semaphore(%arg13 : memref<!tpu.dma_semaphore, #tpu.memory_space<semaphore_mem>>) src(%arg7 : memref<16x3968xf32, #tpu.memory_space<vmem>>) dst(%dma_wait3A_124 : memref<16x3968xf32, #tpu.memory_space<hbm>>)
    %dma_start3A_125 = arith.constant 64 : i32
    %dma_start3A_126 = tpu.memref_slice %arg6[%dma_start3A_125] : memref<128xi32, #tpu.memory_space<vmem>> -> memref<16xi32, #tpu.memory_space<vmem>>
    %dma_start3A_127 = arith.constant 0 : i32
    %dma_start3A_128 = arith.constant 0 : i32
    %dma_start3A_129 = tpu.memref_slice %arg3[%dma_start3A_127, %dma_start3A_128] : memref<1000x4000xf32, #tpu.memory_space<hbm>> -> memref<1000x3968xf32, #tpu.memory_space<hbm>>
    tpu.enqueue_indirect_dma source(%dma_start3A_129 : memref<1000x3968xf32, #tpu.memory_space<hbm>>) target(%arg7 : memref<16x3968xf32, #tpu.memory_space<vmem>>) offsets(%dma_start3A_126 : memref<16xi32, #tpu.memory_space<vmem>>) semaphore(%arg10 : memref<!tpu.dma_semaphore, #tpu.memory_space<semaphore_mem>>)
    %add3A_130 = arith.constant 48 : i32
    %add3A_131 = arith.addi %mul3A_2, %add3A_130 : i32
    %dma_wait3A_132 = arith.constant 48 : i32
    %dma_wait3A_133 = tpu.memref_slice %arg6[%dma_wait3A_132] : memref<128xi32, #tpu.memory_space<vmem>> -> memref<16xi32, #tpu.memory_space<vmem>>
    %dma_wait3A_134 = arith.constant 0 : i32
    %dma_wait3A_135 = arith.constant 0 : i32
    %dma_wait3A_136 = tpu.memref_slice %arg3[%dma_wait3A_134, %dma_wait3A_135] : memref<1000x4000xf32, #tpu.memory_space<hbm>> -> memref<1000x3968xf32, #tpu.memory_space<hbm>>
    tpu.wait_indirect_dma semaphore(%arg11 : memref<!tpu.dma_semaphore, #tpu.memory_space<semaphore_mem>>) src(%dma_wait3A_136 : memref<1000x3968xf32, #tpu.memory_space<hbm>>) dst(%arg8 : memref<16x3968xf32, #tpu.memory_space<vmem>>)
    %dma_wait3A_137 = arith.constant 48 : i32
    %dma_wait3A_138 = tpu.memref_slice %arg6[%dma_wait3A_137] : memref<128xi32, #tpu.memory_space<vmem>> -> memref<16xi32, #tpu.memory_space<vmem>>
    %dma_wait3A_139 = arith.constant 0 : i32
    %dma_wait3A_140 = arith.constant 0 : i32
    %dma_wait3A_141 = tpu.memref_slice %arg4[%dma_wait3A_139, %dma_wait3A_140] : memref<1000x128xf32, #tpu.memory_space<hbm>> -> memref<1000x128xf32, #tpu.memory_space<hbm>>
    tpu.wait_indirect_dma semaphore(%arg12 : memref<!tpu.dma_semaphore, #tpu.memory_space<semaphore_mem>>) src(%dma_wait3A_141 : memref<1000x128xf32, #tpu.memory_space<hbm>>) dst(%arg9 : memref<16x128xf32, #tpu.memory_space<vmem>>)
    %dma_start3A_142 = arith.constant 0 : i32
    %dma_start3A_143 = tpu.memref_slice %arg5[%add3A_131, %dma_start3A_142] : memref<4096x4096xf32, #tpu.memory_space<hbm>> -> memref<16x3968xf32, #tpu.memory_space<hbm>>
    %dma_start3A_144 = arith.constant 0 : i32
    %dma_start3A_145 = tpu.memref_slice %arg5[%add3A_131, %dma_start3A_144] : memref<4096x4096xf32, #tpu.memory_space<hbm>> -> memref<16x3968xf32, #tpu.memory_space<hbm>>
    tpu.enqueue_dma source(%arg8 : memref<16x3968xf32, #tpu.memory_space<vmem>>) target(%dma_start3A_145 : memref<16x3968xf32, #tpu.memory_space<hbm>>) target_semaphore(%arg14 : memref<!tpu.dma_semaphore, #tpu.memory_space<semaphore_mem>>)
    %dma_start3A_146 = arith.constant 3968 : i32
    %dma_start3A_147 = tpu.memref_slice %arg5[%add3A_131, %dma_start3A_146] : memref<4096x4096xf32, #tpu.memory_space<hbm>> -> memref<16x128xf32, #tpu.memory_space<hbm>>
    %dma_start3A_148 = arith.constant 3968 : i32
    %dma_start3A_149 = tpu.memref_slice %arg5[%add3A_131, %dma_start3A_148] : memref<4096x4096xf32, #tpu.memory_space<hbm>> -> memref<16x128xf32, #tpu.memory_space<hbm>>
    tpu.enqueue_dma source(%arg9 : memref<16x128xf32, #tpu.memory_space<vmem>>) target(%dma_start3A_149 : memref<16x128xf32, #tpu.memory_space<hbm>>) target_semaphore(%arg15 : memref<!tpu.dma_semaphore, #tpu.memory_space<semaphore_mem>>)
    %dma_wait3A_150 = arith.constant 3968 : i32
    %dma_wait3A_151 = tpu.memref_slice %arg5[%add3A_131, %dma_wait3A_150] : memref<4096x4096xf32, #tpu.memory_space<hbm>> -> memref<16x128xf32, #tpu.memory_space<hbm>>
    %dma_wait3A_152 = arith.constant 3968 : i32
    %dma_wait3A_153 = tpu.memref_slice %arg5[%add3A_131, %dma_wait3A_152] : memref<4096x4096xf32, #tpu.memory_space<hbm>> -> memref<16x128xf32, #tpu.memory_space<hbm>>
    tpu.wait_dma2 semaphore(%arg15 : memref<!tpu.dma_semaphore, #tpu.memory_space<semaphore_mem>>) src(%arg9 : memref<16x128xf32, #tpu.memory_space<vmem>>) dst(%dma_wait3A_153 : memref<16x128xf32, #tpu.memory_space<hbm>>)
    %dma_start3A_154 = arith.constant 64 : i32
    %dma_start3A_155 = tpu.memref_slice %arg6[%dma_start3A_154] : memref<128xi32, #tpu.memory_space<vmem>> -> memref<16xi32, #tpu.memory_space<vmem>>
    %dma_start3A_156 = arith.constant 0 : i32
    %dma_start3A_157 = arith.constant 0 : i32
    %dma_start3A_158 = tpu.memref_slice %arg4[%dma_start3A_156, %dma_start3A_157] : memref<1000x128xf32, #tpu.memory_space<hbm>> -> memref<1000x128xf32, #tpu.memory_space<hbm>>
    tpu.enqueue_indirect_dma source(%dma_start3A_158 : memref<1000x128xf32, #tpu.memory_space<hbm>>) target(%arg9 : memref<16x128xf32, #tpu.memory_space<vmem>>) offsets(%dma_start3A_155 : memref<16xi32, #tpu.memory_space<vmem>>) semaphore(%arg12 : memref<!tpu.dma_semaphore, #tpu.memory_space<semaphore_mem>>)
    %dma_wait3A_159 = arith.constant 0 : i32
    %dma_wait3A_160 = tpu.memref_slice %arg5[%add3A_131, %dma_wait3A_159] : memref<4096x4096xf32, #tpu.memory_space<hbm>> -> memref<16x3968xf32, #tpu.memory_space<hbm>>
    %dma_wait3A_161 = arith.constant 0 : i32
    %dma_wait3A_162 = tpu.memref_slice %arg5[%add3A_131, %dma_wait3A_161] : memref<4096x4096xf32, #tpu.memory_space<hbm>> -> memref<16x3968xf32, #tpu.memory_space<hbm>>
    tpu.wait_dma2 semaphore(%arg14 : memref<!tpu.dma_semaphore, #tpu.memory_space<semaphore_mem>>) src(%arg8 : memref<16x3968xf32, #tpu.memory_space<vmem>>) dst(%dma_wait3A_162 : memref<16x3968xf32, #tpu.memory_space<hbm>>)
    %dma_start3A_163 = arith.constant 80 : i32
    %dma_start3A_164 = tpu.memref_slice %arg6[%dma_start3A_163] : memref<128xi32, #tpu.memory_space<vmem>> -> memref<16xi32, #tpu.memory_space<vmem>>
    %dma_start3A_165 = arith.constant 0 : i32
    %dma_start3A_166 = arith.constant 0 : i32
    %dma_start3A_167 = tpu.memref_slice %arg3[%dma_start3A_165, %dma_start3A_166] : memref<1000x4000xf32, #tpu.memory_space<hbm>> -> memref<1000x3968xf32, #tpu.memory_space<hbm>>
    tpu.enqueue_indirect_dma source(%dma_start3A_167 : memref<1000x3968xf32, #tpu.memory_space<hbm>>) target(%arg8 : memref<16x3968xf32, #tpu.memory_space<vmem>>) offsets(%dma_start3A_164 : memref<16xi32, #tpu.memory_space<vmem>>) semaphore(%arg11 : memref<!tpu.dma_semaphore, #tpu.memory_space<semaphore_mem>>)
    %add3A_168 = arith.constant 64 : i32
    %add3A_169 = arith.addi %mul3A_2, %add3A_168 : i32
    %dma_wait3A_170 = arith.constant 64 : i32
    %dma_wait3A_171 = tpu.memref_slice %arg6[%dma_wait3A_170] : memref<128xi32, #tpu.memory_space<vmem>> -> memref<16xi32, #tpu.memory_space<vmem>>
    %dma_wait3A_172 = arith.constant 0 : i32
    %dma_wait3A_173 = arith.constant 0 : i32
    %dma_wait3A_174 = tpu.memref_slice %arg3[%dma_wait3A_172, %dma_wait3A_173] : memref<1000x4000xf32, #tpu.memory_space<hbm>> -> memref<1000x3968xf32, #tpu.memory_space<hbm>>
    tpu.wait_indirect_dma semaphore(%arg10 : memref<!tpu.dma_semaphore, #tpu.memory_space<semaphore_mem>>) src(%dma_wait3A_174 : memref<1000x3968xf32, #tpu.memory_space<hbm>>) dst(%arg7 : memref<16x3968xf32, #tpu.memory_space<vmem>>)
    %dma_wait3A_175 = arith.constant 64 : i32
    %dma_wait3A_176 = tpu.memref_slice %arg6[%dma_wait3A_175] : memref<128xi32, #tpu.memory_space<vmem>> -> memref<16xi32, #tpu.memory_space<vmem>>
    %dma_wait3A_177 = arith.constant 0 : i32
    %dma_wait3A_178 = arith.constant 0 : i32
    %dma_wait3A_179 = tpu.memref_slice %arg4[%dma_wait3A_177, %dma_wait3A_178] : memref<1000x128xf32, #tpu.memory_space<hbm>> -> memref<1000x128xf32, #tpu.memory_space<hbm>>
    tpu.wait_indirect_dma semaphore(%arg12 : memref<!tpu.dma_semaphore, #tpu.memory_space<semaphore_mem>>) src(%dma_wait3A_179 : memref<1000x128xf32, #tpu.memory_space<hbm>>) dst(%arg9 : memref<16x128xf32, #tpu.memory_space<vmem>>)
    %dma_start3A_180 = arith.constant 0 : i32
    %dma_start3A_181 = tpu.memref_slice %arg5[%add3A_169, %dma_start3A_180] : memref<4096x4096xf32, #tpu.memory_space<hbm>> -> memref<16x3968xf32, #tpu.memory_space<hbm>>
    %dma_start3A_182 = arith.constant 0 : i32
    %dma_start3A_183 = tpu.memref_slice %arg5[%add3A_169, %dma_start3A_182] : memref<4096x4096xf32, #tpu.memory_space<hbm>> -> memref<16x3968xf32, #tpu.memory_space<hbm>>
    tpu.enqueue_dma source(%arg7 : memref<16x3968xf32, #tpu.memory_space<vmem>>) target(%dma_start3A_183 : memref<16x3968xf32, #tpu.memory_space<hbm>>) target_semaphore(%arg13 : memref<!tpu.dma_semaphore, #tpu.memory_space<semaphore_mem>>)
    %dma_start3A_184 = arith.constant 3968 : i32
    %dma_start3A_185 = tpu.memref_slice %arg5[%add3A_169, %dma_start3A_184] : memref<4096x4096xf32, #tpu.memory_space<hbm>> -> memref<16x128xf32, #tpu.memory_space<hbm>>
    %dma_start3A_186 = arith.constant 3968 : i32
    %dma_start3A_187 = tpu.memref_slice %arg5[%add3A_169, %dma_start3A_186] : memref<4096x4096xf32, #tpu.memory_space<hbm>> -> memref<16x128xf32, #tpu.memory_space<hbm>>
    tpu.enqueue_dma source(%arg9 : memref<16x128xf32, #tpu.memory_space<vmem>>) target(%dma_start3A_187 : memref<16x128xf32, #tpu.memory_space<hbm>>) target_semaphore(%arg15 : memref<!tpu.dma_semaphore, #tpu.memory_space<semaphore_mem>>)
    %dma_wait3A_188 = arith.constant 3968 : i32
    %dma_wait3A_189 = tpu.memref_slice %arg5[%add3A_169, %dma_wait3A_188] : memref<4096x4096xf32, #tpu.memory_space<hbm>> -> memref<16x128xf32, #tpu.memory_space<hbm>>
    %dma_wait3A_190 = arith.constant 3968 : i32
    %dma_wait3A_191 = tpu.memref_slice %arg5[%add3A_169, %dma_wait3A_190] : memref<4096x4096xf32, #tpu.memory_space<hbm>> -> memref<16x128xf32, #tpu.memory_space<hbm>>
    tpu.wait_dma2 semaphore(%arg15 : memref<!tpu.dma_semaphore, #tpu.memory_space<semaphore_mem>>) src(%arg9 : memref<16x128xf32, #tpu.memory_space<vmem>>) dst(%dma_wait3A_191 : memref<16x128xf32, #tpu.memory_space<hbm>>)
    %dma_start3A_192 = arith.constant 80 : i32
    %dma_start3A_193 = tpu.memref_slice %arg6[%dma_start3A_192] : memref<128xi32, #tpu.memory_space<vmem>> -> memref<16xi32, #tpu.memory_space<vmem>>
    %dma_start3A_194 = arith.constant 0 : i32
    %dma_start3A_195 = arith.constant 0 : i32
    %dma_start3A_196 = tpu.memref_slice %arg4[%dma_start3A_194, %dma_start3A_195] : memref<1000x128xf32, #tpu.memory_space<hbm>> -> memref<1000x128xf32, #tpu.memory_space<hbm>>
    tpu.enqueue_indirect_dma source(%dma_start3A_196 : memref<1000x128xf32, #tpu.memory_space<hbm>>) target(%arg9 : memref<16x128xf32, #tpu.memory_space<vmem>>) offsets(%dma_start3A_193 : memref<16xi32, #tpu.memory_space<vmem>>) semaphore(%arg12 : memref<!tpu.dma_semaphore, #tpu.memory_space<semaphore_mem>>)
    %dma_wait3A_197 = arith.constant 0 : i32
    %dma_wait3A_198 = tpu.memref_slice %arg5[%add3A_169, %dma_wait3A_197] : memref<4096x4096xf32, #tpu.memory_space<hbm>> -> memref<16x3968xf32, #tpu.memory_space<hbm>>
    %dma_wait3A_199 = arith.constant 0 : i32
    %dma_wait3A_200 = tpu.memref_slice %arg5[%add3A_169, %dma_wait3A_199] : memref<4096x4096xf32, #tpu.memory_space<hbm>> -> memref<16x3968xf32, #tpu.memory_space<hbm>>
    tpu.wait_dma2 semaphore(%arg13 : memref<!tpu.dma_semaphore, #tpu.memory_space<semaphore_mem>>) src(%arg7 : memref<16x3968xf32, #tpu.memory_space<vmem>>) dst(%dma_wait3A_200 : memref<16x3968xf32, #tpu.memory_space<hbm>>)
    %dma_start3A_201 = arith.constant 96 : i32
    %dma_start3A_202 = tpu.memref_slice %arg6[%dma_start3A_201] : memref<128xi32, #tpu.memory_space<vmem>> -> memref<16xi32, #tpu.memory_space<vmem>>
    %dma_start3A_203 = arith.constant 0 : i32
    %dma_start3A_204 = arith.constant 0 : i32
    %dma_start3A_205 = tpu.memref_slice %arg3[%dma_start3A_203, %dma_start3A_204] : memref<1000x4000xf32, #tpu.memory_space<hbm>> -> memref<1000x3968xf32, #tpu.memory_space<hbm>>
    tpu.enqueue_indirect_dma source(%dma_start3A_205 : memref<1000x3968xf32, #tpu.memory_space<hbm>>) target(%arg7 : memref<16x3968xf32, #tpu.memory_space<vmem>>) offsets(%dma_start3A_202 : memref<16xi32, #tpu.memory_space<vmem>>) semaphore(%arg10 : memref<!tpu.dma_semaphore, #tpu.memory_space<semaphore_mem>>)
    %add3A_206 = arith.constant 80 : i32
    %add3A_207 = arith.addi %mul3A_2, %add3A_206 : i32
    %dma_wait3A_208 = arith.constant 80 : i32
    %dma_wait3A_209 = tpu.memref_slice %arg6[%dma_wait3A_208] : memref<128xi32, #tpu.memory_space<vmem>> -> memref<16xi32, #tpu.memory_space<vmem>>
    %dma_wait3A_210 = arith.constant 0 : i32
    %dma_wait3A_211 = arith.constant 0 : i32
    %dma_wait3A_212 = tpu.memref_slice %arg3[%dma_wait3A_210, %dma_wait3A_211] : memref<1000x4000xf32, #tpu.memory_space<hbm>> -> memref<1000x3968xf32, #tpu.memory_space<hbm>>
    tpu.wait_indirect_dma semaphore(%arg11 : memref<!tpu.dma_semaphore, #tpu.memory_space<semaphore_mem>>) src(%dma_wait3A_212 : memref<1000x3968xf32, #tpu.memory_space<hbm>>) dst(%arg8 : memref<16x3968xf32, #tpu.memory_space<vmem>>)
    %dma_wait3A_213 = arith.constant 80 : i32
    %dma_wait3A_214 = tpu.memref_slice %arg6[%dma_wait3A_213] : memref<128xi32, #tpu.memory_space<vmem>> -> memref<16xi32, #tpu.memory_space<vmem>>
    %dma_wait3A_215 = arith.constant 0 : i32
    %dma_wait3A_216 = arith.constant 0 : i32
    %dma_wait3A_217 = tpu.memref_slice %arg4[%dma_wait3A_215, %dma_wait3A_216] : memref<1000x128xf32, #tpu.memory_space<hbm>> -> memref<1000x128xf32, #tpu.memory_space<hbm>>
    tpu.wait_indirect_dma semaphore(%arg12 : memref<!tpu.dma_semaphore, #tpu.memory_space<semaphore_mem>>) src(%dma_wait3A_217 : memref<1000x128xf32, #tpu.memory_space<hbm>>) dst(%arg9 : memref<16x128xf32, #tpu.memory_space<vmem>>)
    %dma_start3A_218 = arith.constant 0 : i32
    %dma_start3A_219 = tpu.memref_slice %arg5[%add3A_207, %dma_start3A_218] : memref<4096x4096xf32, #tpu.memory_space<hbm>> -> memref<16x3968xf32, #tpu.memory_space<hbm>>
    %dma_start3A_220 = arith.constant 0 : i32
    %dma_start3A_221 = tpu.memref_slice %arg5[%add3A_207, %dma_start3A_220] : memref<4096x4096xf32, #tpu.memory_space<hbm>> -> memref<16x3968xf32, #tpu.memory_space<hbm>>
    tpu.enqueue_dma source(%arg8 : memref<16x3968xf32, #tpu.memory_space<vmem>>) target(%dma_start3A_221 : memref<16x3968xf32, #tpu.memory_space<hbm>>) target_semaphore(%arg14 : memref<!tpu.dma_semaphore, #tpu.memory_space<semaphore_mem>>)
    %dma_start3A_222 = arith.constant 3968 : i32
    %dma_start3A_223 = tpu.memref_slice %arg5[%add3A_207, %dma_start3A_222] : memref<4096x4096xf32, #tpu.memory_space<hbm>> -> memref<16x128xf32, #tpu.memory_space<hbm>>
    %dma_start3A_224 = arith.constant 3968 : i32
    %dma_start3A_225 = tpu.memref_slice %arg5[%add3A_207, %dma_start3A_224] : memref<4096x4096xf32, #tpu.memory_space<hbm>> -> memref<16x128xf32, #tpu.memory_space<hbm>>
    tpu.enqueue_dma source(%arg9 : memref<16x128xf32, #tpu.memory_space<vmem>>) target(%dma_start3A_225 : memref<16x128xf32, #tpu.memory_space<hbm>>) target_semaphore(%arg15 : memref<!tpu.dma_semaphore, #tpu.memory_space<semaphore_mem>>)
    %dma_wait3A_226 = arith.constant 3968 : i32
    %dma_wait3A_227 = tpu.memref_slice %arg5[%add3A_207, %dma_wait3A_226] : memref<4096x4096xf32, #tpu.memory_space<hbm>> -> memref<16x128xf32, #tpu.memory_space<hbm>>
    %dma_wait3A_228 = arith.constant 3968 : i32
    %dma_wait3A_229 = tpu.memref_slice %arg5[%add3A_207, %dma_wait3A_228] : memref<4096x4096xf32, #tpu.memory_space<hbm>> -> memref<16x128xf32, #tpu.memory_space<hbm>>
    tpu.wait_dma2 semaphore(%arg15 : memref<!tpu.dma_semaphore, #tpu.memory_space<semaphore_mem>>) src(%arg9 : memref<16x128xf32, #tpu.memory_space<vmem>>) dst(%dma_wait3A_229 : memref<16x128xf32, #tpu.memory_space<hbm>>)
    %dma_start3A_230 = arith.constant 96 : i32
    %dma_start3A_231 = tpu.memref_slice %arg6[%dma_start3A_230] : memref<128xi32, #tpu.memory_space<vmem>> -> memref<16xi32, #tpu.memory_space<vmem>>
    %dma_start3A_232 = arith.constant 0 : i32
    %dma_start3A_233 = arith.constant 0 : i32
    %dma_start3A_234 = tpu.memref_slice %arg4[%dma_start3A_232, %dma_start3A_233] : memref<1000x128xf32, #tpu.memory_space<hbm>> -> memref<1000x128xf32, #tpu.memory_space<hbm>>
    tpu.enqueue_indirect_dma source(%dma_start3A_234 : memref<1000x128xf32, #tpu.memory_space<hbm>>) target(%arg9 : memref<16x128xf32, #tpu.memory_space<vmem>>) offsets(%dma_start3A_231 : memref<16xi32, #tpu.memory_space<vmem>>) semaphore(%arg12 : memref<!tpu.dma_semaphore, #tpu.memory_space<semaphore_mem>>)
    %dma_wait3A_235 = arith.constant 0 : i32
    %dma_wait3A_236 = tpu.memref_slice %arg5[%add3A_207, %dma_wait3A_235] : memref<4096x4096xf32, #tpu.memory_space<hbm>> -> memref<16x3968xf32, #tpu.memory_space<hbm>>
    %dma_wait3A_237 = arith.constant 0 : i32
    %dma_wait3A_238 = tpu.memref_slice %arg5[%add3A_207, %dma_wait3A_237] : memref<4096x4096xf32, #tpu.memory_space<hbm>> -> memref<16x3968xf32, #tpu.memory_space<hbm>>
    tpu.wait_dma2 semaphore(%arg14 : memref<!tpu.dma_semaphore, #tpu.memory_space<semaphore_mem>>) src(%arg8 : memref<16x3968xf32, #tpu.memory_space<vmem>>) dst(%dma_wait3A_238 : memref<16x3968xf32, #tpu.memory_space<hbm>>)
    %dma_start3A_239 = arith.constant 112 : i32
    %dma_start3A_240 = tpu.memref_slice %arg6[%dma_start3A_239] : memref<128xi32, #tpu.memory_space<vmem>> -> memref<16xi32, #tpu.memory_space<vmem>>
    %dma_start3A_241 = arith.constant 0 : i32
    %dma_start3A_242 = arith.constant 0 : i32
    %dma_start3A_243 = tpu.memref_slice %arg3[%dma_start3A_241, %dma_start3A_242] : memref<1000x4000xf32, #tpu.memory_space<hbm>> -> memref<1000x3968xf32, #tpu.memory_space<hbm>>
    tpu.enqueue_indirect_dma source(%dma_start3A_243 : memref<1000x3968xf32, #tpu.memory_space<hbm>>) target(%arg8 : memref<16x3968xf32, #tpu.memory_space<vmem>>) offsets(%dma_start3A_240 : memref<16xi32, #tpu.memory_space<vmem>>) semaphore(%arg11 : memref<!tpu.dma_semaphore, #tpu.memory_space<semaphore_mem>>)
    %add3A_244 = arith.constant 96 : i32
    %add3A_245 = arith.addi %mul3A_2, %add3A_244 : i32
    %dma_wait3A_246 = arith.constant 96 : i32
    %dma_wait3A_247 = tpu.memref_slice %arg6[%dma_wait3A_246] : memref<128xi32, #tpu.memory_space<vmem>> -> memref<16xi32, #tpu.memory_space<vmem>>
    %dma_wait3A_248 = arith.constant 0 : i32
    %dma_wait3A_249 = arith.constant 0 : i32
    %dma_wait3A_250 = tpu.memref_slice %arg3[%dma_wait3A_248, %dma_wait3A_249] : memref<1000x4000xf32, #tpu.memory_space<hbm>> -> memref<1000x3968xf32, #tpu.memory_space<hbm>>
    tpu.wait_indirect_dma semaphore(%arg10 : memref<!tpu.dma_semaphore, #tpu.memory_space<semaphore_mem>>) src(%dma_wait3A_250 : memref<1000x3968xf32, #tpu.memory_space<hbm>>) dst(%arg7 : memref<16x3968xf32, #tpu.memory_space<vmem>>)
    %dma_wait3A_251 = arith.constant 96 : i32
    %dma_wait3A_252 = tpu.memref_slice %arg6[%dma_wait3A_251] : memref<128xi32, #tpu.memory_space<vmem>> -> memref<16xi32, #tpu.memory_space<vmem>>
    %dma_wait3A_253 = arith.constant 0 : i32
    %dma_wait3A_254 = arith.constant 0 : i32
    %dma_wait3A_255 = tpu.memref_slice %arg4[%dma_wait3A_253, %dma_wait3A_254] : memref<1000x128xf32, #tpu.memory_space<hbm>> -> memref<1000x128xf32, #tpu.memory_space<hbm>>
    tpu.wait_indirect_dma semaphore(%arg12 : memref<!tpu.dma_semaphore, #tpu.memory_space<semaphore_mem>>) src(%dma_wait3A_255 : memref<1000x128xf32, #tpu.memory_space<hbm>>) dst(%arg9 : memref<16x128xf32, #tpu.memory_space<vmem>>)
    %dma_start3A_256 = arith.constant 0 : i32
    %dma_start3A_257 = tpu.memref_slice %arg5[%add3A_245, %dma_start3A_256] : memref<4096x4096xf32, #tpu.memory_space<hbm>> -> memref<16x3968xf32, #tpu.memory_space<hbm>>
    %dma_start3A_258 = arith.constant 0 : i32
    %dma_start3A_259 = tpu.memref_slice %arg5[%add3A_245, %dma_start3A_258] : memref<4096x4096xf32, #tpu.memory_space<hbm>> -> memref<16x3968xf32, #tpu.memory_space<hbm>>
    tpu.enqueue_dma source(%arg7 : memref<16x3968xf32, #tpu.memory_space<vmem>>) target(%dma_start3A_259 : memref<16x3968xf32, #tpu.memory_space<hbm>>) target_semaphore(%arg13 : memref<!tpu.dma_semaphore, #tpu.memory_space<semaphore_mem>>)
    %dma_start3A_260 = arith.constant 3968 : i32
    %dma_start3A_261 = tpu.memref_slice %arg5[%add3A_245, %dma_start3A_260] : memref<4096x4096xf32, #tpu.memory_space<hbm>> -> memref<16x128xf32, #tpu.memory_space<hbm>>
    %dma_start3A_262 = arith.constant 3968 : i32
    %dma_start3A_263 = tpu.memref_slice %arg5[%add3A_245, %dma_start3A_262] : memref<4096x4096xf32, #tpu.memory_space<hbm>> -> memref<16x128xf32, #tpu.memory_space<hbm>>
    tpu.enqueue_dma source(%arg9 : memref<16x128xf32, #tpu.memory_space<vmem>>) target(%dma_start3A_263 : memref<16x128xf32, #tpu.memory_space<hbm>>) target_semaphore(%arg15 : memref<!tpu.dma_semaphore, #tpu.memory_space<semaphore_mem>>)
    %dma_wait3A_264 = arith.constant 3968 : i32
    %dma_wait3A_265 = tpu.memref_slice %arg5[%add3A_245, %dma_wait3A_264] : memref<4096x4096xf32, #tpu.memory_space<hbm>> -> memref<16x128xf32, #tpu.memory_space<hbm>>
    %dma_wait3A_266 = arith.constant 3968 : i32
    %dma_wait3A_267 = tpu.memref_slice %arg5[%add3A_245, %dma_wait3A_266] : memref<4096x4096xf32, #tpu.memory_space<hbm>> -> memref<16x128xf32, #tpu.memory_space<hbm>>
    tpu.wait_dma2 semaphore(%arg15 : memref<!tpu.dma_semaphore, #tpu.memory_space<semaphore_mem>>) src(%arg9 : memref<16x128xf32, #tpu.memory_space<vmem>>) dst(%dma_wait3A_267 : memref<16x128xf32, #tpu.memory_space<hbm>>)
    %dma_start3A_268 = arith.constant 112 : i32
    %dma_start3A_269 = tpu.memref_slice %arg6[%dma_start3A_268] : memref<128xi32, #tpu.memory_space<vmem>> -> memref<16xi32, #tpu.memory_space<vmem>>
    %dma_start3A_270 = arith.constant 0 : i32
    %dma_start3A_271 = arith.constant 0 : i32
    %dma_start3A_272 = tpu.memref_slice %arg4[%dma_start3A_270, %dma_start3A_271] : memref<1000x128xf32, #tpu.memory_space<hbm>> -> memref<1000x128xf32, #tpu.memory_space<hbm>>
    tpu.enqueue_indirect_dma source(%dma_start3A_272 : memref<1000x128xf32, #tpu.memory_space<hbm>>) target(%arg9 : memref<16x128xf32, #tpu.memory_space<vmem>>) offsets(%dma_start3A_269 : memref<16xi32, #tpu.memory_space<vmem>>) semaphore(%arg12 : memref<!tpu.dma_semaphore, #tpu.memory_space<semaphore_mem>>)
    %add3A_273 = arith.constant 112 : i32
    %add3A_274 = arith.addi %mul3A_2, %add3A_273 : i32
    %dma_wait3A_275 = arith.constant 112 : i32
    %dma_wait3A_276 = tpu.memref_slice %arg6[%dma_wait3A_275] : memref<128xi32, #tpu.memory_space<vmem>> -> memref<16xi32, #tpu.memory_space<vmem>>
    %dma_wait3A_277 = arith.constant 0 : i32
    %dma_wait3A_278 = arith.constant 0 : i32
    %dma_wait3A_279 = tpu.memref_slice %arg3[%dma_wait3A_277, %dma_wait3A_278] : memref<1000x4000xf32, #tpu.memory_space<hbm>> -> memref<1000x3968xf32, #tpu.memory_space<hbm>>
    tpu.wait_indirect_dma semaphore(%arg11 : memref<!tpu.dma_semaphore, #tpu.memory_space<semaphore_mem>>) src(%dma_wait3A_279 : memref<1000x3968xf32, #tpu.memory_space<hbm>>) dst(%arg8 : memref<16x3968xf32, #tpu.memory_space<vmem>>)
    %dma_wait3A_280 = arith.constant 112 : i32
    %dma_wait3A_281 = tpu.memref_slice %arg6[%dma_wait3A_280] : memref<128xi32, #tpu.memory_space<vmem>> -> memref<16xi32, #tpu.memory_space<vmem>>
    %dma_wait3A_282 = arith.constant 0 : i32
    %dma_wait3A_283 = arith.constant 0 : i32
    %dma_wait3A_284 = tpu.memref_slice %arg4[%dma_wait3A_282, %dma_wait3A_283] : memref<1000x128xf32, #tpu.memory_space<hbm>> -> memref<1000x128xf32, #tpu.memory_space<hbm>>
    tpu.wait_indirect_dma semaphore(%arg12 : memref<!tpu.dma_semaphore, #tpu.memory_space<semaphore_mem>>) src(%dma_wait3A_284 : memref<1000x128xf32, #tpu.memory_space<hbm>>) dst(%arg9 : memref<16x128xf32, #tpu.memory_space<vmem>>)
    %dma_start3A_285 = arith.constant 0 : i32
    %dma_start3A_286 = tpu.memref_slice %arg5[%add3A_274, %dma_start3A_285] : memref<4096x4096xf32, #tpu.memory_space<hbm>> -> memref<16x3968xf32, #tpu.memory_space<hbm>>
    %dma_start3A_287 = arith.constant 0 : i32
    %dma_start3A_288 = tpu.memref_slice %arg5[%add3A_274, %dma_start3A_287] : memref<4096x4096xf32, #tpu.memory_space<hbm>> -> memref<16x3968xf32, #tpu.memory_space<hbm>>
    tpu.enqueue_dma source(%arg8 : memref<16x3968xf32, #tpu.memory_space<vmem>>) target(%dma_start3A_288 : memref<16x3968xf32, #tpu.memory_space<hbm>>) target_semaphore(%arg14 : memref<!tpu.dma_semaphore, #tpu.memory_space<semaphore_mem>>)
    %dma_start3A_289 = arith.constant 3968 : i32
    %dma_start3A_290 = tpu.memref_slice %arg5[%add3A_274, %dma_start3A_289] : memref<4096x4096xf32, #tpu.memory_space<hbm>> -> memref<16x128xf32, #tpu.memory_space<hbm>>
    %dma_start3A_291 = arith.constant 3968 : i32
    %dma_start3A_292 = tpu.memref_slice %arg5[%add3A_274, %dma_start3A_291] : memref<4096x4096xf32, #tpu.memory_space<hbm>> -> memref<16x128xf32, #tpu.memory_space<hbm>>
    tpu.enqueue_dma source(%arg9 : memref<16x128xf32, #tpu.memory_space<vmem>>) target(%dma_start3A_292 : memref<16x128xf32, #tpu.memory_space<hbm>>) target_semaphore(%arg15 : memref<!tpu.dma_semaphore, #tpu.memory_space<semaphore_mem>>)
    %dma_wait3A_293 = arith.constant 0 : i32
    %dma_wait3A_294 = tpu.memref_slice %arg5[%add3A_245, %dma_wait3A_293] : memref<4096x4096xf32, #tpu.memory_space<hbm>> -> memref<16x3968xf32, #tpu.memory_space<hbm>>
    %dma_wait3A_295 = arith.constant 0 : i32
    %dma_wait3A_296 = tpu.memref_slice %arg5[%add3A_245, %dma_wait3A_295] : memref<4096x4096xf32, #tpu.memory_space<hbm>> -> memref<16x3968xf32, #tpu.memory_space<hbm>>
    tpu.wait_dma2 semaphore(%arg13 : memref<!tpu.dma_semaphore, #tpu.memory_space<semaphore_mem>>) src(%arg7 : memref<16x3968xf32, #tpu.memory_space<vmem>>) dst(%dma_wait3A_296 : memref<16x3968xf32, #tpu.memory_space<hbm>>)
    %dma_wait3A_297 = arith.constant 0 : i32
    %dma_wait3A_298 = tpu.memref_slice %arg5[%add3A_274, %dma_wait3A_297] : memref<4096x4096xf32, #tpu.memory_space<hbm>> -> memref<16x3968xf32, #tpu.memory_space<hbm>>
    %dma_wait3A_299 = arith.constant 0 : i32
    %dma_wait3A_300 = tpu.memref_slice %arg5[%add3A_274, %dma_wait3A_299] : memref<4096x4096xf32, #tpu.memory_space<hbm>> -> memref<16x3968xf32, #tpu.memory_space<hbm>>
    tpu.wait_dma2 semaphore(%arg14 : memref<!tpu.dma_semaphore, #tpu.memory_space<semaphore_mem>>) src(%arg8 : memref<16x3968xf32, #tpu.memory_space<vmem>>) dst(%dma_wait3A_300 : memref<16x3968xf32, #tpu.memory_space<hbm>>)
    %dma_wait3A_301 = arith.constant 3968 : i32
    %dma_wait3A_302 = tpu.memref_slice %arg5[%add3A_274, %dma_wait3A_301] : memref<4096x4096xf32, #tpu.memory_space<hbm>> -> memref<16x128xf32, #tpu.memory_space<hbm>>
    %dma_wait3A_303 = arith.constant 3968 : i32
    %dma_wait3A_304 = tpu.memref_slice %arg5[%add3A_274, %dma_wait3A_303] : memref<4096x4096xf32, #tpu.memory_space<hbm>> -> memref<16x128xf32, #tpu.memory_space<hbm>>
    tpu.wait_dma2 semaphore(%arg15 : memref<!tpu.dma_semaphore, #tpu.memory_space<semaphore_mem>>) src(%arg9 : memref<16x128xf32, #tpu.memory_space<vmem>>) dst(%dma_wait3A_304 : memref<16x128xf32, #tpu.memory_space<hbm>>)
    return
  }
}

</mosaic_0001>

<sc_bundles>
// kernel: kernel.3.cloned.1.call-start
scs
__scs_entry_jumppad:
0x0: {  	(pc) =	sbr.rel $0x88, $3  }
0x1: {  	(tag) =	ssettag $0x0;
	lr =	simm.s32 $0x1  }
0x2: {  	[smem:$0x3F9F] =	sst lr;
	_ =	strace $0xD0000000  }
0x3: {  	_ = 	snop  }
0x4: {  	_ = 	snop  }
0x5: {  	_ = 	snop  }
0x6: {  	_ = 	snop  }
0x7: {  	_ = 	snop  }
__scs_overlays_trampoline_lowered:
0x8: {  	[smem:$0x3FAE] =	sst s0  }
0x9: {  	[smem:$0x3FAF] =	sst s1  }
0xa: {  	[smem:$0x3FB0] =	sst s2  }
0xb: {  	[smem:$0x3FB1] =	sst s3  }
0xc: {  	[smem:$0x3FB2] =	sst s4  }
0xd: {  	[smem:$0x3FB3] =	sst s5  }
0xe: {  	[smem:$0x3FB4] =	sst s6  }
0xf: {  	[smem:$0x3FB5] =	sst s7  }
0x10: {  	[smem:$0x3FB6] =	sst s8  }
0x11: {  	[smem:$0x3FB7] =	sst s9;
	s0 =	simm.s32 @!p0 $0x0  }
0x12: {  	s1 =	sld [smem:$0x3F9D];
	s0 =	simm.s32 @p0 $0x1  }
0x13: {  	[smem:$0x3FB8] =	sst s0;
	s0 =	simm.s32 @!p1 $0x0  }
0x14: {  	s2 =	sld [smem:$0x3F9C];
	s0 =	simm.s32 @p1 $0x1  }
0x15: {  	[smem:$0x3FB9] =	sst s0;
	s0 =	simm.s32 @!p2 $0x0  }
0x16: {  	s3 =	sld [smem:$0x3FDB];
	s0 =	simm.s32 @p2 $0x1  }
0x17: {  	s4 =	simm.s32 $0x1BF5;
	[smem:$0x3FBB] =	sst s0  }
0x18: {  	s0 =	sld [smem:$0x3F9E];
	_ =	swait.ge [sflag:s4], $0x0  }
0x19: {  	s7 =	sld [smem:$0x3F9F]  }
0x1a: {  	s8 =	sadd.s32 $0xFFFFE003, lr  }
0x1b: {  	s9 =	sadd.s32 $0xFFFFFEF7, lr;
	s5 =	simm.s32 $0xFFFFFFFF;
	p2 =	slt.u32 s8, $0xFFFFF086  }
0x1c: {  	p1 =	slt.u32 s9, $0xF7A;
	s5 =	simm.s32 @!p2 $0x0  }
0x1d: {  	s5 =	simm.s32 @p1 $0x1;
	p0 =	seq.s32 s7, s2  }
0x1e: {  	s7 =	smul.u32 @!p0 $0xF7A, s2;
	p2 =	seq.s32 @!p0 s5, $0x0  }
0x1f: {  	s9 =	smul.u32 $0xF7A, s1;
	s8 =	simm.s32 @!p0 $0x1BF5;
	p2 =	por !p2, p0  }
0x20: {  	[sflag:s8] =	ssyncset.s32 @!p0 $0xFFFFF086;
	s6 =	sadd.s32 @!p0 s3, s7;
	s7 =	simm.s32 @!p0 $0x108  }
0x21: {  	s3 =	sadd.s32 s3, s9;
	s6 =	sadd.s32 @!p0 $0x88, s6;
	s7 =	simm.s32 @p2 $0x1082  }
0x22: {  	[simem:s7], [sflag:s8] =	dma.local @!p0 [hbm:s6], $0xF7A  }
0x23: {  	s9 =	sor.u32 $0xD0000000, s2;
	s6 =	simm.s32 $0x108;
	_ =	swait.ge @!p0 [sflag:s8], $0x0  }
0x24: {  	s3 =	sadd.s32 $0x88, s3;
	s6 =	simm.s32 @!p1 $0x1082;
	[sflag:s4] =	ssyncset.s32 $0xFFFFF086  }
0x25: {  	[simem:s6], [sflag:s4] =	dma.local [hbm:s3], $0xF7A  }
0x26: {  	[smem:$0x3F9F] =	sst s1;
	(tag) =	ssettag s2;
	_ =	strace s9  }
0x27: {  	s1 =	sld [smem:$0x3FAF]  }
0x28: {  	s2 =	sld [smem:$0x3FB0]  }
0x29: {  	s4 =	sld [smem:$0x3FB2]  }
0x2a: {  	p0 =	seq.s32 s5, $0x0;
	s5 =	sld [smem:$0x3FB3]  }
0x2b: {  	s6 =	sld [smem:$0x3FB4]  }
0x2c: {  	s7 =	sld [smem:$0x3FB5]  }
0x2d: {  	s3 =	simm.s32 $0x108;
	s8 =	sld [smem:$0x3FB6]  }
0x2e: {  	s3 =	simm.s32 @!p0 $0x1082;
	s9 =	sld [smem:$0x3FB7]  }
0x2f: {  	lr =	sadd.s32 s0, s3;
	s0 =	sld [smem:$0x3FAE]  }
0x30: {  	s3 =	sld [smem:$0x3FB1]  }
0x31: {  	[smem:$0x3FBA] =	sst s10  }
0x32: {  	s10 =	sld [smem:$0x3FB8];
	_ =	sdelay $0x3  }
0x33: {  	p0 =	seq.s32 s10, $0x1;
	s10 =	sld [smem:$0x3FBA];
	_ =	sdelay $0x3  }
0x34: {  	[smem:$0x3FBA] =	sst s10  }
0x35: {  	s10 =	sld [smem:$0x3FB9];
	_ =	sdelay $0x3  }
0x36: {  	p1 =	seq.s32 s10, $0x1;
	s10 =	sld [smem:$0x3FBA];
	_ =	sdelay $0x3  }
0x37: {  	[smem:$0x3FBA] =	sst s10  }
0x38: {  	s10 =	sld [smem:$0x3FBB]  }
0x39: {  	_ = 	snop;
	(pc) =	sbr.ind lr, $3  }
0x3a: {  	_ = 	snop  }
0x3b: {  	_ = 	snop  }
0x3c: {  	p2 =	seq.s32 s10, $0x1;
	s10 =	sld [smem:$0x3FBA]  }
0x3d: {  	_ =	shalt  }
0x3e: {  	_ =	shalt  }
0x3f: {  	_ =	shalt  }
0x40: {  	_ =	shalt  }
0x41: {  	_ =	shalt  }
0x42: {  	_ =	shalt  }
0x43: {  	_ =	shalt  }
0x44: {  	_ =	shalt  }
0x45: {  	_ =	shalt  }
0x46: {  	_ =	shalt  }
0x47: {  	_ =	shalt  }
0x48: {  	_ =	shalt  }
0x49: {  	_ =	shalt  }
0x4a: {  	_ =	shalt  }
0x4b: {  	_ =	shalt  }
0x4c: {  	_ =	shalt  }
0x4d: {  	_ =	shalt  }
0x4e: {  	_ =	shalt  }
0x4f: {  	_ =	shalt  }
0x50: {  	_ =	shalt  }
0x51: {  	_ =	shalt  }
0x52: {  	_ =	shalt  }
0x53: {  	_ =	shalt  }
0x54: {  	_ =	shalt  }
0x55: {  	_ =	shalt  }
0x56: {  	_ =	shalt  }
0x57: {  	_ =	shalt  }
0x58: {  	_ =	shalt  }
0x59: {  	_ =	shalt  }
0x5a: {  	_ =	shalt  }
0x5b: {  	_ =	shalt  }
0x5c: {  	_ =	shalt  }
0x5d: {  	_ =	shalt  }
0x5e: {  	_ =	shalt  }
0x5f: {  	_ =	shalt  }
0x60: {  	_ =	shalt  }
0x61: {  	_ =	shalt  }
0x62: {  	_ =	shalt  }
0x63: {  	_ =	shalt  }
0x64: {  	_ =	shalt  }
0x65: {  	_ =	shalt  }
0x66: {  	_ =	shalt  }
0x67: {  	_ =	shalt  }
0x68: {  	_ =	shalt  }
0x69: {  	_ =	shalt  }
0x6a: {  	_ =	shalt  }
0x6b: {  	_ =	shalt  }
0x6c: {  	_ =	shalt  }
0x6d: {  	_ =	shalt  }
0x6e: {  	_ =	shalt  }
0x6f: {  	_ =	shalt  }
0x70: {  	_ =	shalt  }
0x71: {  	_ =	shalt  }
0x72: {  	_ =	shalt  }
0x73: {  	_ =	shalt  }
0x74: {  	_ =	shalt  }
0x75: {  	_ =	shalt  }
0x76: {  	_ =	shalt  }
0x77: {  	_ =	shalt  }
0x78: {  	_ =	shalt  }
0x79: {  	_ =	shalt  }
0x7a: {  	_ =	shalt  }
0x7b: {  	_ =	shalt  }
0x7c: {  	_ =	shalt  }
0x7d: {  	_ =	shalt  }
0x7e: {  	_ =	shalt  }
0x7f: {  	_ =	shalt  }
0x80: {  	_ =	shalt  }
0x81: {  	_ =	shalt  }
0x82: {  	_ =	shalt  }
0x83: {  	_ =	shalt  }
0x84: {  	_ =	shalt  }
0x85: {  	_ =	shalt  }
0x86: {  	_ =	shalt  }
0x87: {  	_ =	shalt  }
.Lfunc_end0:
.L_simem_size_0:
called_computation.1_lowered:
.L_overlay_start_0:
0x88: {  	s2 =	sld [smem:$0x3FD9]  }
0x89: {  	s3 =	sld [smem:$0x3FFE];
	_ =	sdelay $0x1  }
0x8a: {  	s1 =	srdreg.scid  }
0x8b: {  	s0 =	sand.u32 $0x1, s1  }
0x8c: {  	s17 =	sshll.u32 s0, $0xA;
	s2 =	sadd.s32 s3, s2  }
0x8d: {  	s2 =	sadd.s32 s2, s17  }
0x8e: {  	[smem:$0x3FC6] =	sst s2  }
0x8f: {  	_ = 	snop  }
0x90: {  	s2 =	sld [smem:$0x3FC9]  }
0x91: {  	s18 =	sld [smem:$0x3FC8]  }
0x92: {  	s4 =	sld [smem:$0x3FD0];
	(tm) =	ssettm $0x1  }
0x93: {  	s5 =	sld [smem:$0x3FFB];
	_ =	sdelay $0x3  }
0x94: {  	_ =	strace s5  }
0x95: {  	s5 =	sld [smem:$0x3FFC];
	_ =	sdelay $0x3  }
0x96: {  	_ =	strace s5  }
0x97: {  	s5 =	sld [smem:$0x3FFD];
	_ =	sdelay $0x3  }
0x98: {  	_ =	strace s5  }
0x99: {  	_ =	strace $0x8FFFFFFF  }
0x9a: {  	s19 =	sld [smem:$0x3FDB];
	_ =	sdelay $0x1  }
0x9b: {  	s6 =	simm.s32 $_scs_section_size  }
0x9c: {  	s7 =	simm.s32 $_size__tile_overlayer_lowered;
	s8 =	simm.s32 $_tile_overlayer_lowered  }
0x9d: {  	s22 =	simm.s32 $0x1BFF;
	s21 =	sshll.u32 s8, $0x1;
	s5 =	sadd.s32 s6, s19  }
0x9e: {  	s9 =	simm.s32 $0x0;
	s20 =	sshll.u32 s7, $0x1;
	s7 =	sadd.s32 s21, s5  }
0x9f: {  	[timem:s9], [sflag:s22] =	dma.local [hbm:s7], s20  }
0xa0: {  	_ =	swait.ge [sflag:s22], s20  }
0xa1: {  	s6 =	ssub.s32 $0x0, s20;
	[sflag:s22] =	ssyncset.done $0x0  }
0xa2: {  	[sflag:s22] =	ssyncadd.s32 s6;
	_ =	sdelay $0x1  }
0xa3: {  	s23 =	simm.s32 $0x1B8B  }
0xa4: {  	_ =	swait.ge [sflag:s23], $0x1  }
0xa5: {  	[sflag:s23] =	ssyncset.done $0x0  }
0xa6: {  	s25 =	simm.s32 $0x1B8E;
	s24 =	sld [smem:$0x3FFE];
	[sflag:s23] =	ssyncadd.s32 $0xFFFFFFFF  }
0xa7: {  	s26 =	simm.s32 $execute0_lowered;
	[smem:$0x3FD2] =	sst s25  }
0xa8: {  	s7 =	sshll.u32 s26, $0x1;
	_ =	strace $0x80000046;
	[dreg:$0x1] =	wrdreg $0xFFFFFFFF  }
0xa9: {  	s28 =	simm.s32 $_size_execute0_lowered;
	s5 =	sadd.s32 s5, s7;
	[dreg:$0x0] =	wrdreg $0x0  }
0xaa: {  	s7 =	sshll.u32 s28, $0x1;
	[dreg:$0x2] =	wrdreg s5  }
0xab: {  	[dreg:$0x3] =	wrdreg s7  }
0xac: {  	[dreg:$0x4] =	wrdreg $0xC0  }
0xad: {  	_ =	task [dreg:s9], $0x5FFFF  }
0xae: {  	[dreg:$0x1] =	wrdreg $0xFFFFFFFF  }
0xaf: {  	[dreg:$0x0] =	wrdreg $0x60  }
0xb0: {  	[dreg:$0x2] =	wrdreg s2  }
0xb1: {  	[dreg:$0x3] =	wrdreg s18  }
0xb2: {  	[dreg:$0x4] =	wrdreg s4  }
0xb3: {  	[dreg:$0x5] =	wrdreg s24  }
0xb4: {  	[dreg:$0x6] =	wrdreg $0x9  }
0xb5: {  	_ =	task.clear_ibuf [dreg:s9], $0x7FFFF;
	_ =	strace $0x90000046  }
0xb6: {  	s29 =	simm.s32 $0x9;
	_ =	strace $0x80000048  }
0xb7: {  	_ =	swait.ge [sflag:s29], $0x1  }
0xb8: {  	[sflag:s29] =	ssyncadd.s32 $0xFFFFFFFF  }
0xb9: {  	_ =	strace $0x90000048  }
0xba: {  	_ =	sfence  }
0xbb: {  	s30 =	sld [smem:$0x0];
	_ =	sdelay $0x2  }
0xbc: {  	s31 =	sshll.u32 s1, $0xD;
	s1 =	sshrl.u32 s1, $0x2  }
0xbd: {  	s3 =	sand.u32 $0x4000, s31;
	s1 =	sadd.s32 s1, s30  }
0xbe: {  	s0 =	sor.u32 s3, s0;
	s1 =	sshll.u32 s1, $0x11  }
0xbf: {  	s0 =	sor.u32 s1, s0  }
0xc0: {  	s0 =	sadd.s32 $0x8F2B, s0  }
0xc1: {  	[sflag:s0] =	ssyncadd.remote.s32 $0x1  }
0xc2: {  	_ =	sfence.sel $0xFFFF  }
0xc3: {  	[dreg:$0x0] =	wrdreg $0xFFFFFFFF;
	(pc) =	sbr.abs _section_cstart, $3  }
0xc4: {  	[dreg:$0x1] =	wrdreg $0xFFFFFFFF  }
0xc5: {  	_ =	task.clear_ibuf [dreg:s9], $0x2FFFF;
	_ =	strace $0x9FFFFFFF  }
0xc6: {  	(tm) =	ssettm $0x7FFFFFFF  }
0xc7: {  	_ =	shalt  }
tec
execute0_lowered:
.L_overlay_start_1:
0x0: {  	(tag) =	ssettag $0x1  }
0x1: {  	s0 =	rddreg [dreg:$0x0]  }
0x2: {  	s1 =	rddreg [dreg:$0x1]  }
0x3: {  	s2 =	srdreg.scid;
	s4 =	stileid.u32  }
0x4: {  	s3 =	rddreg [dreg:$0x3];
	s5 =	sshll.u32 s4, $0x8;
	s4 =	simm.s32 $0x0  }
0x5: {  	s24 =	simm.s32 $0x20;
	s25 =	simm.s32 $0x30;
	[smem:$0x7FF] =	sst s4  }
0x6: {  	s26 =	simm.s32 $0x40;
	_ =	strace $0x80000047;
	[dreg:$0x16] =	wrdreg s24  }
0x7: {  	s28 =	simm.s32 $0x50;
	s2 =	sand.u32 $0x1, s2;
	[dreg:$0x17] =	wrdreg s25  }
0x8: {  	s29 =	simm.s32 $0x60;
	s6 =	sshll.u32 s2, $0x7;
	[dreg:$0x18] =	wrdreg s26  }
0x9: {  	s30 =	simm.s32 $0x70;
	s5 =	sor.u32 s6, s5;
	[dreg:$0x19] =	wrdreg s28  }
0xa: {  	[dreg:$0x1a] =	wrdreg s29;
	s6 =	sshll.u32 s5, $0x9;
	s5 =	sshrl.u32 s5, $0x3  }
0xb: {  	[dreg:$0x1b] =	wrdreg s30;
	s3 =	sadd.s32 s6, s3;
	s0 =	sadd.s32 s0, s5  }
0xc: {  	s31 =	simm.s32 $0x6;
	[dreg:$0x5] =	wrdreg s0;
	s7 =	sadd.s32 $0x800, s3  }
0xd: {  	s2 =	ssub.s32 $0x2, s2;
	s8 =	sadd.s32 $0x1780, s3;
	[dreg:$0x6] =	wrdreg s7  }
0xe: {  	s9 =	sshrl.u32 s2, $0x1;
	s10 =	sadd.s32 $0x2800, s3;
	[dreg:$0x7] =	wrdreg s8  }
0xf: {  	s26 =	simm.s32 $0x3;
	s11 =	sadd.s32 $0x3780, s3;
	[dreg:$0x8] =	wrdreg s10  }
0x10: {  	s2 =	ssub.s32 s2, s9;
	s12 =	sadd.s32 $0x4800, s3;
	[dreg:$0x9] =	wrdreg s11  }
0x11: {  	s9 =	sadd.s32 $0x500, s1;
	s13 =	sadd.s32 $0x5780, s3;
	[dreg:$0xa] =	wrdreg s12  }
0x12: {  	s5 =	sadd.s32 $0x100, s1;
	s14 =	sadd.s32 $0x6800, s3;
	[dreg:$0xb] =	wrdreg s13  }
0x13: {  	s6 =	sadd.s32 $0x200, s1;
	s15 =	sadd.s32 $0x7780, s3;
	[dreg:$0xc] =	wrdreg s14  }
0x14: {  	s16 =	sadd.s32 $0x8800, s3;
	s17 =	sadd.s32 $0x9780, s3;
	[dreg:$0xd] =	wrdreg s15  }
0x15: {  	s18 =	sadd.s32 $0xA800, s3;
	s19 =	sadd.s32 $0xB780, s3;
	[dreg:$0xe] =	wrdreg s16  }
0x16: {  	s20 =	sadd.s32 $0xC800, s3;
	s21 =	sadd.s32 $0xD780, s3;
	[dreg:$0xf] =	wrdreg s17  }
0x17: {  	s22 =	sadd.s32 $0xE800, s3;
	s23 =	sadd.s32 $0xF780, s3;
	[dreg:$0x10] =	wrdreg s18  }
0x18: {  	s7 =	sadd.s32 $0x300, s1;
	s8 =	sadd.s32 $0x400, s1;
	[dreg:$0x11] =	wrdreg s19  }
0x19: {  	s10 =	sadd.s32 $0x600, s1;
	s11 =	sadd.s32 $0x700, s1;
	[dreg:$0x12] =	wrdreg s20  }
0x1a: {  	s12 =	sadd.s32 $0x800, s1;
	s13 =	sadd.s32 $0x900, s1;
	[dreg:$0x13] =	wrdreg s21  }
0x1b: {  	v2 =	vlaneseq.u32;
	s14 =	sadd.s32 $0xA00, s1;
	s15 =	sadd.s32 $0xB00, s1;
	[dreg:$0x14] =	wrdreg s22  }
0x1c: {  	vm0 =	vmmov $0xffff;
	vm1 =	vmmov $0xff;
	v1 =	vshrl.u32 v2, $0x3;
	s16 =	sadd.s32 $0xC00, s1;
	s17 =	sadd.s32 $0xD00, s1;
	[dreg:$0x15] =	wrdreg s23  }
0x1d: {  	v0 =	vand.u32 $0x7, v2;
	v2 =	vor.u32 $0x8, v2;
	v1 =	vmul.u32 $0x8, v1;
	s18 =	sadd.s32 $0xE00, s1;
	s19 =	sadd.s32 $0xF00, s1;
	s20 =	smax.u32 s2, $0x1  }
.LBB2_1:
0x1e: {  	[dreg:$0x1c] =	wrdreg s20  }
0x1f: {  	s22 =	rddreg [dreg:$0x5];
	s0 =	simm.s32 $0x7  }
0x20: {  	[tilespmem:s4], [sflag:$0x7] =	stream.linear.gather [hbm4b:s22+s4], $0x80, $0x38;
	[tilespmem:$0x1F880] =	vst v63  }
0x21: {  	_ =	swait.ge [sflag:s0], $0x80  }
0x22: {  	[sflag:s0] =	ssyncset.done $0x0  }
0x23: {  	[sflag:s0] =	ssyncadd.s32 $0xFFFFFF80  }
0x24: {  	v3 =	vld [tilespmem:$0x0];
	_ =	sdelay $0x4  }
0x25: {  	v4 =	vshll.u32 v3, $0x5  }
0x26: {  	v3 =	vand.u32 $0x7, v3;
	v4 =	vand.u32 $0xFFFFFF00, v4  }
0x27: {  	v3 =	vor.u32 v3, v4  }
0x28: {  	v4 =	vperm.xlane v3, v0;
	_ =	sdelay $0x1  }
0x29: {  	v4 =	vadd.s32 v1, v4;
	_ =	sdelay $0x3  }
0x2a: {  	s23 =	simm.s32 $0x80;
	s24 =	rddreg [dreg:$0x1]  }
0x2b: {  	[tilespmem:s23], [sflag:$0x1] =	stream.indirect_vreg.gather [hbm4b:s24+s4], $0x80, v4, vm0, $0xb8;
	[tilespmem:$0x1F880] =	vst v63  }
0x2c: {  	s25 =	simm.s32 $0x880  }
0x2d: {  	[tilespmem:s25], [sflag:$0x1] =	stream.indirect_vreg.gather [hbm4b:s5+s4], $0x80, v4, vm0, $0xb8;
	[tilespmem:$0x1F880] =	vst v63  }
0x2e: {  	s28 =	simm.s32 $0x1080  }
0x2f: {  	[tilespmem:s28], [sflag:$0x1] =	stream.indirect_vreg.gather [hbm4b:s6+s4], $0x80, v4, vm0, $0xb8;
	[tilespmem:$0x1F880] =	vst v63  }
0x30: {  	s29 =	simm.s32 $0x1880  }
0x31: {  	[tilespmem:s29], [sflag:$0x1] =	stream.indirect_vreg.gather [hbm4b:s7+s4], $0x80, v4, vm0, $0xb8;
	[tilespmem:$0x1F880] =	vst v63  }
0x32: {  	s30 =	simm.s32 $0x2080  }
0x33: {  	[tilespmem:s30], [sflag:$0x1] =	stream.indirect_vreg.gather [hbm4b:s8+s4], $0x80, v4, vm0, $0xb8;
	[tilespmem:$0x1F880] =	vst v63  }
0x34: {  	s1 =	simm.s32 $0x2880  }
0x35: {  	[tilespmem:s1], [sflag:$0x1] =	stream.indirect_vreg.gather [hbm4b:s9+s4], $0x80, v4, vm0, $0xb8;
	[tilespmem:$0x1F880] =	vst v63  }
0x36: {  	s2 =	simm.s32 $0x3080  }
0x37: {  	[tilespmem:s2], [sflag:$0x1] =	stream.indirect_vreg.gather [hbm4b:s10+s4], $0x80, v4, vm0, $0xb8;
	[tilespmem:$0x1F880] =	vst v63  }
0x38: {  	s3 =	simm.s32 $0x3880  }
0x39: {  	[tilespmem:s3], [sflag:$0x1] =	stream.indirect_vreg.gather [hbm4b:s11+s4], $0x80, v4, vm0, $0xb8;
	[tilespmem:$0x1F880] =	vst v63  }
0x3a: {  	s21 =	simm.s32 $0x4080  }
0x3b: {  	[tilespmem:s21], [sflag:$0x1] =	stream.indirect_vreg.gather [hbm4b:s12+s4], $0x80, v4, vm0, $0xb8;
	[tilespmem:$0x1F880] =	vst v63  }
0x3c: {  	s22 =	simm.s32 $0x4880  }
0x3d: {  	[tilespmem:s22], [sflag:$0x1] =	stream.indirect_vreg.gather [hbm4b:s13+s4], $0x80, v4, vm0, $0xb8;
	[tilespmem:$0x1F880] =	vst v63  }
0x3e: {  	s23 =	simm.s32 $0x5080  }
0x3f: {  	[tilespmem:s23], [sflag:$0x1] =	stream.indirect_vreg.gather [hbm4b:s14+s4], $0x80, v4, vm0, $0xb8;
	[tilespmem:$0x1F880] =	vst v63  }
0x40: {  	s25 =	simm.s32 $0x5880  }
0x41: {  	[tilespmem:s25], [sflag:$0x1] =	stream.indirect_vreg.gather [hbm4b:s15+s4], $0x80, v4, vm0, $0xb8;
	[tilespmem:$0x1F880] =	vst v63  }
0x42: {  	s28 =	simm.s32 $0x6080  }
0x43: {  	[tilespmem:s28], [sflag:$0x1] =	stream.indirect_vreg.gather [hbm4b:s16+s4], $0x80, v4, vm0, $0xb8;
	[tilespmem:$0x1F880] =	vst v63  }
0x44: {  	v3 =	vperm.xlane v3, v2;
	s29 =	simm.s32 $0x6880  }
0x45: {  	[tilespmem:s29], [sflag:$0x1] =	stream.indirect_vreg.gather [hbm4b:s17+s4], $0x80, v4, vm0, $0xb8;
	[tilespmem:$0x1F880] =	vst v63  }
0x46: {  	v3 =	vadd.s32 v1, v3;
	s30 =	simm.s32 $0x7080  }
0x47: {  	[tilespmem:s30], [sflag:$0x1] =	stream.indirect_vreg.gather [hbm4b:s18+s4], $0x80, v4, vm0, $0xb8;
	[tilespmem:$0x1F880] =	vst v63  }
0x48: {  	s1 =	simm.s32 $0x7880  }
0x49: {  	[tilespmem:s1], [sflag:$0x1] =	stream.indirect_vreg.gather [hbm4b:s19+s4], $0x80, v4, vm1, $0xb8;
	[tilespmem:$0x1F880] =	vst v63  }
0x4a: {  	s2 =	simm.s32 $0x7C80  }
0x4b: {  	[tilespmem:s2], [sflag:$0x1] =	stream.indirect_vreg.gather [hbm4b:s24+s4], $0x80, v3, vm0, $0xb8;
	[tilespmem:$0x1F880] =	vst v63  }
0x4c: {  	s3 =	simm.s32 $0x8480  }
0x4d: {  	[tilespmem:s3], [sflag:$0x1] =	stream.indirect_vreg.gather [hbm4b:s5+s4], $0x80, v3, vm0, $0xb8;
	[tilespmem:$0x1F880] =	vst v63  }
0x4e: {  	s21 =	simm.s32 $0x8C80  }
0x4f: {  	[tilespmem:s21], [sflag:$0x1] =	stream.indirect_vreg.gather [hbm4b:s6+s4], $0x80, v3, vm0, $0xb8;
	[tilespmem:$0x1F880] =	vst v63  }
0x50: {  	s22 =	simm.s32 $0x9480  }
0x51: {  	[tilespmem:s22], [sflag:$0x1] =	stream.indirect_vreg.gather [hbm4b:s7+s4], $0x80, v3, vm0, $0xb8;
	[tilespmem:$0x1F880] =	vst v63  }
0x52: {  	s23 =	simm.s32 $0x9C80  }
0x53: {  	[tilespmem:s23], [sflag:$0x1] =	stream.indirect_vreg.gather [hbm4b:s8+s4], $0x80, v3, vm0, $0xb8;
	[tilespmem:$0x1F880] =	vst v63  }
0x54: {  	s25 =	simm.s32 $0xA480  }
0x55: {  	[tilespmem:s25], [sflag:$0x1] =	stream.indirect_vreg.gather [hbm4b:s9+s4], $0x80, v3, vm0, $0xb8;
	[tilespmem:$0x1F880] =	vst v63  }
0x56: {  	s28 =	simm.s32 $0xAC80  }
0x57: {  	[tilespmem:s28], [sflag:$0x1] =	stream.indirect_vreg.gather [hbm4b:s10+s4], $0x80, v3, vm0, $0xb8;
	[tilespmem:$0x1F880] =	vst v63  }
0x58: {  	s29 =	simm.s32 $0xB480  }
0x59: {  	[tilespmem:s29], [sflag:$0x1] =	stream.indirect_vreg.gather [hbm4b:s11+s4], $0x80, v3, vm0, $0xb8;
	[tilespmem:$0x1F880] =	vst v63  }
0x5a: {  	s30 =	simm.s32 $0xBC80  }
0x5b: {  	[tilespmem:s30], [sflag:$0x1] =	stream.indirect_vreg.gather [hbm4b:s12+s4], $0x80, v3, vm0, $0xb8;
	[tilespmem:$0x1F880] =	vst v63  }
0x5c: {  	s1 =	simm.s32 $0xC480  }
0x5d: {  	[tilespmem:s1], [sflag:$0x1] =	stream.indirect_vreg.gather [hbm4b:s13+s4], $0x80, v3, vm0, $0xb8;
	[tilespmem:$0x1F880] =	vst v63  }
0x5e: {  	s2 =	simm.s32 $0xCC80  }
0x5f: {  	[tilespmem:s2], [sflag:$0x1] =	stream.indirect_vreg.gather [hbm4b:s14+s4], $0x80, v3, vm0, $0xb8;
	[tilespmem:$0x1F880] =	vst v63  }
0x60: {  	s3 =	simm.s32 $0xD480  }
0x61: {  	[tilespmem:s3], [sflag:$0x1] =	stream.indirect_vreg.gather [hbm4b:s15+s4], $0x80, v3, vm0, $0xb8;
	[tilespmem:$0x1F880] =	vst v63  }
0x62: {  	s21 =	simm.s32 $0xDC80  }
0x63: {  	[tilespmem:s21], [sflag:$0x1] =	stream.indirect_vreg.gather [hbm4b:s16+s4], $0x80, v3, vm0, $0xb8;
	[tilespmem:$0x1F880] =	vst v63  }
0x64: {  	s22 =	simm.s32 $0xE480  }
0x65: {  	[tilespmem:s22], [sflag:$0x1] =	stream.indirect_vreg.gather [hbm4b:s17+s4], $0x80, v3, vm0, $0xb8;
	[tilespmem:$0x1F880] =	vst v63  }
0x66: {  	s23 =	simm.s32 $0xEC80  }
0x67: {  	[tilespmem:s23], [sflag:$0x1] =	stream.indirect_vreg.gather [hbm4b:s18+s4], $0x80, v3, vm0, $0xb8;
	[tilespmem:$0x1F880] =	vst v63  }
0x68: {  	s25 =	simm.s32 $0xF480  }
0x69: {  	[tilespmem:s25], [sflag:$0x1] =	stream.indirect_vreg.gather [hbm4b:s19+s4], $0x80, v3, vm1, $0xb8;
	[tilespmem:$0x1F880] =	vst v63  }
0x6a: {  	v3 =	vld [tilespmem:$0x10];
	_ =	sdelay $0x4  }
0x6b: {  	v57 =	vshll.u32 v3, $0x5  }
0x6c: {  	v3 =	vand.u32 $0x7, v3;
	v4 =	vand.u32 $0xFFFFFF00, v57  }
0x6d: {  	v3 =	vor.u32 v3, v4  }
0x6e: {  	v4 =	vperm.xlane v3, v0;
	_ =	sdelay $0x1  }
0x6f: {  	v4 =	vadd.s32 v1, v4;
	_ =	sdelay $0x3  }
0x70: {  	s28 =	simm.s32 $0xF880  }
0x71: {  	[tilespmem:s28], [sflag:$0x2] =	stream.indirect_vreg.gather [hbm4b:s24+s4], $0x80, v4, vm0, $0xb8;
	[tilespmem:$0x1F880] =	vst v63  }
0x72: {  	s29 =	simm.s32 $0x10080  }
0x73: {  	[tilespmem:s29], [sflag:$0x2] =	stream.indirect_vreg.gather [hbm4b:s5+s4], $0x80, v4, vm0, $0xb8;
	[tilespmem:$0x1F880] =	vst v63  }
0x74: {  	s30 =	simm.s32 $0x10880  }
0x75: {  	[tilespmem:s30], [sflag:$0x2] =	stream.indirect_vreg.gather [hbm4b:s6+s4], $0x80, v4, vm0, $0xb8;
	[tilespmem:$0x1F880] =	vst v63  }
0x76: {  	s1 =	simm.s32 $0x11080  }
0x77: {  	[tilespmem:s1], [sflag:$0x2] =	stream.indirect_vreg.gather [hbm4b:s7+s4], $0x80, v4, vm0, $0xb8;
	[tilespmem:$0x1F880] =	vst v63  }
0x78: {  	s2 =	simm.s32 $0x11880  }
0x79: {  	[tilespmem:s2], [sflag:$0x2] =	stream.indirect_vreg.gather [hbm4b:s8+s4], $0x80, v4, vm0, $0xb8;
	[tilespmem:$0x1F880] =	vst v63  }
0x7a: {  	s3 =	simm.s32 $0x12080  }
0x7b: {  	[tilespmem:s3], [sflag:$0x2] =	stream.indirect_vreg.gather [hbm4b:s9+s4], $0x80, v4, vm0, $0xb8;
	[tilespmem:$0x1F880] =	vst v63  }
0x7c: {  	s21 =	simm.s32 $0x12880  }
0x7d: {  	[tilespmem:s21], [sflag:$0x2] =	stream.indirect_vreg.gather [hbm4b:s10+s4], $0x80, v4, vm0, $0xb8;
	[tilespmem:$0x1F880] =	vst v63  }
0x7e: {  	s22 =	simm.s32 $0x13080  }
0x7f: {  	[tilespmem:s22], [sflag:$0x2] =	stream.indirect_vreg.gather [hbm4b:s11+s4], $0x80, v4, vm0, $0xb8;
	[tilespmem:$0x1F880] =	vst v63  }
0x80: {  	s23 =	simm.s32 $0x13880  }
0x81: {  	[tilespmem:s23], [sflag:$0x2] =	stream.indirect_vreg.gather [hbm4b:s12+s4], $0x80, v4, vm0, $0xb8;
	[tilespmem:$0x1F880] =	vst v63  }
0x82: {  	s25 =	simm.s32 $0x14080  }
0x83: {  	[tilespmem:s25], [sflag:$0x2] =	stream.indirect_vreg.gather [hbm4b:s13+s4], $0x80, v4, vm0, $0xb8;
	[tilespmem:$0x1F880] =	vst v63  }
0x84: {  	s28 =	simm.s32 $0x14880  }
0x85: {  	[tilespmem:s28], [sflag:$0x2] =	stream.indirect_vreg.gather [hbm4b:s14+s4], $0x80, v4, vm0, $0xb8;
	[tilespmem:$0x1F880] =	vst v63  }
0x86: {  	s29 =	simm.s32 $0x15080  }
0x87: {  	[tilespmem:s29], [sflag:$0x2] =	stream.indirect_vreg.gather [hbm4b:s15+s4], $0x80, v4, vm0, $0xb8;
	[tilespmem:$0x1F880] =	vst v63  }
0x88: {  	s30 =	simm.s32 $0x15880  }
0x89: {  	[tilespmem:s30], [sflag:$0x2] =	stream.indirect_vreg.gather [hbm4b:s16+s4], $0x80, v4, vm0, $0xb8;
	[tilespmem:$0x1F880] =	vst v63  }
0x8a: {  	v3 =	vperm.xlane v3, v2;
	s1 =	simm.s32 $0x16080  }
0x8b: {  	[tilespmem:s1], [sflag:$0x2] =	stream.indirect_vreg.gather [hbm4b:s17+s4], $0x80, v4, vm0, $0xb8;
	[tilespmem:$0x1F880] =	vst v63  }
0x8c: {  	v3 =	vadd.s32 v1, v3;
	s2 =	simm.s32 $0x16880  }
0x8d: {  	[tilespmem:s2], [sflag:$0x2] =	stream.indirect_vreg.gather [hbm4b:s18+s4], $0x80, v4, vm0, $0xb8;
	[tilespmem:$0x1F880] =	vst v63  }
0x8e: {  	s3 =	simm.s32 $0x17080  }
0x8f: {  	[tilespmem:s3], [sflag:$0x2] =	stream.indirect_vreg.gather [hbm4b:s19+s4], $0x80, v4, vm1, $0xb8;
	[tilespmem:$0x1F880] =	vst v63  }
0x90: {  	s21 =	simm.s32 $0x17480  }
0x91: {  	[tilespmem:s21], [sflag:$0x2] =	stream.indirect_vreg.gather [hbm4b:s24+s4], $0x80, v3, vm0, $0xb8;
	[tilespmem:$0x1F880] =	vst v63  }
0x92: {  	s22 =	simm.s32 $0x17C80  }
0x93: {  	[tilespmem:s22], [sflag:$0x2] =	stream.indirect_vreg.gather [hbm4b:s5+s4], $0x80, v3, vm0, $0xb8;
	[tilespmem:$0x1F880] =	vst v63  }
0x94: {  	s23 =	simm.s32 $0x18480  }
0x95: {  	[tilespmem:s23], [sflag:$0x2] =	stream.indirect_vreg.gather [hbm4b:s6+s4], $0x80, v3, vm0, $0xb8;
	[tilespmem:$0x1F880] =	vst v63  }
0x96: {  	s25 =	simm.s32 $0x18C80  }
0x97: {  	[tilespmem:s25], [sflag:$0x2] =	stream.indirect_vreg.gather [hbm4b:s7+s4], $0x80, v3, vm0, $0xb8;
	[tilespmem:$0x1F880] =	vst v63  }
0x98: {  	s28 =	simm.s32 $0x19480  }
0x99: {  	[tilespmem:s28], [sflag:$0x2] =	stream.indirect_vreg.gather [hbm4b:s8+s4], $0x80, v3, vm0, $0xb8;
	[tilespmem:$0x1F880] =	vst v63  }
0x9a: {  	s29 =	simm.s32 $0x19C80  }
0x9b: {  	[tilespmem:s29], [sflag:$0x2] =	stream.indirect_vreg.gather [hbm4b:s9+s4], $0x80, v3, vm0, $0xb8;
	[tilespmem:$0x1F880] =	vst v63  }
0x9c: {  	s30 =	simm.s32 $0x1A480  }
0x9d: {  	[tilespmem:s30], [sflag:$0x2] =	stream.indirect_vreg.gather [hbm4b:s10+s4], $0x80, v3, vm0, $0xb8;
	[tilespmem:$0x1F880] =	vst v63  }
0x9e: {  	s1 =	simm.s32 $0x1AC80  }
0x9f: {  	[tilespmem:s1], [sflag:$0x2] =	stream.indirect_vreg.gather [hbm4b:s11+s4], $0x80, v3, vm0, $0xb8;
	[tilespmem:$0x1F880] =	vst v63  }
0xa0: {  	s2 =	simm.s32 $0x1B480  }
0xa1: {  	[tilespmem:s2], [sflag:$0x2] =	stream.indirect_vreg.gather [hbm4b:s12+s4], $0x80, v3, vm0, $0xb8;
	[tilespmem:$0x1F880] =	vst v63  }
0xa2: {  	s3 =	simm.s32 $0x1BC80  }
0xa3: {  	[tilespmem:s3], [sflag:$0x2] =	stream.indirect_vreg.gather [hbm4b:s13+s4], $0x80, v3, vm0, $0xb8;
	[tilespmem:$0x1F880] =	vst v63  }
0xa4: {  	s21 =	simm.s32 $0x1C480  }
0xa5: {  	[tilespmem:s21], [sflag:$0x2] =	stream.indirect_vreg.gather [hbm4b:s14+s4], $0x80, v3, vm0, $0xb8;
	[tilespmem:$0x1F880] =	vst v63  }
0xa6: {  	s22 =	simm.s32 $0x1CC80  }
0xa7: {  	[tilespmem:s22], [sflag:$0x2] =	stream.indirect_vreg.gather [hbm4b:s15+s4], $0x80, v3, vm0, $0xb8;
	[tilespmem:$0x1F880] =	vst v63  }
0xa8: {  	s23 =	simm.s32 $0x1D480  }
0xa9: {  	[tilespmem:s23], [sflag:$0x2] =	stream.indirect_vreg.gather [hbm4b:s16+s4], $0x80, v3, vm0, $0xb8;
	[tilespmem:$0x1F880] =	vst v63  }
0xaa: {  	s25 =	simm.s32 $0x1DC80  }
0xab: {  	[tilespmem:s25], [sflag:$0x2] =	stream.indirect_vreg.gather [hbm4b:s17+s4], $0x80, v3, vm0, $0xb8;
	[tilespmem:$0x1F880] =	vst v63  }
0xac: {  	s28 =	simm.s32 $0x1E480  }
0xad: {  	[tilespmem:s28], [sflag:$0x2] =	stream.indirect_vreg.gather [hbm4b:s18+s4], $0x80, v3, vm0, $0xb8;
	[tilespmem:$0x1F880] =	vst v63  }
0xae: {  	s29 =	simm.s32 $0x1EC80;
	s30 =	simm.s32 $0x10  }
0xaf: {  	[tilespmem:s29], [sflag:$0x2] =	stream.indirect_vreg.gather [hbm4b:s19+s4], $0x80, v3, vm1, $0xb8;
	[tilespmem:$0x1F880] =	vst v63  }
0xb0: {  	s1 =	simm.s32 $0x1;
	s2 =	simm.s32 $0x1F080;
	s21 =	rddreg [dreg:$0x2]  }
0xb1: {  	[tilespmem:s2], [sflag:$0x3] =	stream.indirect.gather [hbm4b:s21+s30], $0x80, s4, s30, $0xb8;
	[tilespmem:$0x1F880] =	vst v63  }
0xb2: {  	_ =	swait.ge [sflag:s1], $0xF800  }
0xb3: {  	[sflag:s1] =	ssyncset.done $0x0  }
0xb4: {  	[sflag:s1] =	ssyncadd.s32 $0xFFFF0800  }
0xb5: {  	_ =	swait.ge [sflag:s26], $0x800  }
0xb6: {  	s23 =	simm.s32 $0x8000;
	s25 =	simm.s32 $0x80;
	[sflag:s26] =	ssyncset.done $0x0  }
0xb7: {  	s30 =	simm.s32 $0x7C00;
	s3 =	rddreg [dreg:$0x6];
	[sflag:s26] =	ssyncadd.s32 $0xFFFFF800  }
0xb8: {  	[hbm4b:s3+s30] =	stream.strided.scatter [tilespmem:s25], [sflag:$0x4], $0xF800, s23, s30, $0x38;
	[tilespmem:$0x1F880] =	vst v63  }
0xb9: {  	s29 =	simm.s32 $0x1F080;
	s28 =	rddreg [dreg:$0x7];
	s3 =	simm.s32 $0x400  }
0xba: {  	[hbm4b:s28+s3] =	stream.strided.scatter [tilespmem:s29], [sflag:$0x6], $0x800, s23, s3, $0x38;
	[tilespmem:$0x1F880] =	vst v63  }
0xbb: {  	_ =	swait.ge [sflag:s31], $0x800  }
0xbc: {  	[sflag:s31] =	ssyncset.done $0x0  }
0xbd: {  	s2 =	simm.s32 $0x10;
	s23 =	simm.s32 $0x4;
	[sflag:s31] =	ssyncadd.s32 $0xFFFFF800  }
0xbe: {  	[tilespmem:s29], [sflag:$0x3] =	stream.indirect.gather [hbm4b:s21+s2], $0x80, s2, s2, $0xb8;
	[tilespmem:$0x1F880] =	vst v63  }
0xbf: {  	_ =	swait.ge [sflag:s23], $0xF800  }
0xc0: {  	[sflag:s23] =	ssyncset.done $0x0  }
0xc1: {  	[sflag:s23] =	ssyncadd.s32 $0xFFFF0800  }
0xc2: {  	v3 =	vld [tilespmem:$0x20];
	_ =	sdelay $0x4  }
0xc3: {  	v58 =	vshll.u32 v3, $0x5  }
0xc4: {  	v3 =	vand.u32 $0x7, v3;
	v4 =	vand.u32 $0xFFFFFF00, v58  }
0xc5: {  	v3 =	vor.u32 v3, v4  }
0xc6: {  	v4 =	vperm.xlane v3, v0;
	_ =	sdelay $0x1  }
0xc7: {  	v4 =	vadd.s32 v1, v4;
	_ =	sdelay $0x4  }
0xc8: {  	[tilespmem:s25], [sflag:$0x1] =	stream.indirect_vreg.gather [hbm4b:s24+s4], $0x80, v4, vm0, $0xb8;
	[tilespmem:$0x1F880] =	vst v63  }
0xc9: {  	s20 =	simm.s32 $0x880  }
0xca: {  	[tilespmem:s20], [sflag:$0x1] =	stream.indirect_vreg.gather [hbm4b:s5+s4], $0x80, v4, vm0, $0xb8;
	[tilespmem:$0x1F880] =	vst v63  }
0xcb: {  	s2 =	simm.s32 $0x1080  }
0xcc: {  	[tilespmem:s2], [sflag:$0x1] =	stream.indirect_vreg.gather [hbm4b:s6+s4], $0x80, v4, vm0, $0xb8;
	[tilespmem:$0x1F880] =	vst v63  }
0xcd: {  	s3 =	simm.s32 $0x1880  }
0xce: {  	[tilespmem:s3], [sflag:$0x1] =	stream.indirect_vreg.gather [hbm4b:s7+s4], $0x80, v4, vm0, $0xb8;
	[tilespmem:$0x1F880] =	vst v63  }
0xcf: {  	s20 =	simm.s32 $0x2080  }
0xd0: {  	[tilespmem:s20], [sflag:$0x1] =	stream.indirect_vreg.gather [hbm4b:s8+s4], $0x80, v4, vm0, $0xb8;
	[tilespmem:$0x1F880] =	vst v63  }
0xd1: {  	s22 =	simm.s32 $0x2880  }
0xd2: {  	[tilespmem:s22], [sflag:$0x1] =	stream.indirect_vreg.gather [hbm4b:s9+s4], $0x80, v4, vm0, $0xb8;
	[tilespmem:$0x1F880] =	vst v63  }
0xd3: {  	s25 =	simm.s32 $0x3080  }
0xd4: {  	[tilespmem:s25], [sflag:$0x1] =	stream.indirect_vreg.gather [hbm4b:s10+s4], $0x80, v4, vm0, $0xb8;
	[tilespmem:$0x1F880] =	vst v63  }
0xd5: {  	s2 =	simm.s32 $0x3880  }
0xd6: {  	[tilespmem:s2], [sflag:$0x1] =	stream.indirect_vreg.gather [hbm4b:s11+s4], $0x80, v4, vm0, $0xb8;
	[tilespmem:$0x1F880] =	vst v63  }
0xd7: {  	s3 =	simm.s32 $0x4080  }
0xd8: {  	[tilespmem:s3], [sflag:$0x1] =	stream.indirect_vreg.gather [hbm4b:s12+s4], $0x80, v4, vm0, $0xb8;
	[tilespmem:$0x1F880] =	vst v63  }
0xd9: {  	s20 =	simm.s32 $0x4880  }
0xda: {  	[tilespmem:s20], [sflag:$0x1] =	stream.indirect_vreg.gather [hbm4b:s13+s4], $0x80, v4, vm0, $0xb8;
	[tilespmem:$0x1F880] =	vst v63  }
0xdb: {  	s22 =	simm.s32 $0x5080  }
0xdc: {  	[tilespmem:s22], [sflag:$0x1] =	stream.indirect_vreg.gather [hbm4b:s14+s4], $0x80, v4, vm0, $0xb8;
	[tilespmem:$0x1F880] =	vst v63  }
0xdd: {  	s25 =	simm.s32 $0x5880  }
0xde: {  	[tilespmem:s25], [sflag:$0x1] =	stream.indirect_vreg.gather [hbm4b:s15+s4], $0x80, v4, vm0, $0xb8;
	[tilespmem:$0x1F880] =	vst v63  }
0xdf: {  	s2 =	simm.s32 $0x6080  }
0xe0: {  	[tilespmem:s2], [sflag:$0x1] =	stream.indirect_vreg.gather [hbm4b:s16+s4], $0x80, v4, vm0, $0xb8;
	[tilespmem:$0x1F880] =	vst v63  }
0xe1: {  	v3 =	vperm.xlane v3, v2;
	s3 =	simm.s32 $0x6880  }
0xe2: {  	[tilespmem:s3], [sflag:$0x1] =	stream.indirect_vreg.gather [hbm4b:s17+s4], $0x80, v4, vm0, $0xb8;
	[tilespmem:$0x1F880] =	vst v63  }
0xe3: {  	v3 =	vadd.s32 v1, v3;
	s20 =	simm.s32 $0x7080  }
0xe4: {  	[tilespmem:s20], [sflag:$0x1] =	stream.indirect_vreg.gather [hbm4b:s18+s4], $0x80, v4, vm0, $0xb8;
	[tilespmem:$0x1F880] =	vst v63  }
0xe5: {  	s22 =	simm.s32 $0x7880  }
0xe6: {  	[tilespmem:s22], [sflag:$0x1] =	stream.indirect_vreg.gather [hbm4b:s19+s4], $0x80, v4, vm1, $0xb8;
	[tilespmem:$0x1F880] =	vst v63  }
0xe7: {  	s25 =	simm.s32 $0x7C80  }
0xe8: {  	[tilespmem:s25], [sflag:$0x1] =	stream.indirect_vreg.gather [hbm4b:s24+s4], $0x80, v3, vm0, $0xb8;
	[tilespmem:$0x1F880] =	vst v63  }
0xe9: {  	s2 =	simm.s32 $0x8480  }
0xea: {  	[tilespmem:s2], [sflag:$0x1] =	stream.indirect_vreg.gather [hbm4b:s5+s4], $0x80, v3, vm0, $0xb8;
	[tilespmem:$0x1F880] =	vst v63  }
0xeb: {  	s3 =	simm.s32 $0x8C80  }
0xec: {  	[tilespmem:s3], [sflag:$0x1] =	stream.indirect_vreg.gather [hbm4b:s6+s4], $0x80, v3, vm0, $0xb8;
	[tilespmem:$0x1F880] =	vst v63  }
0xed: {  	s20 =	simm.s32 $0x9480  }
0xee: {  	[tilespmem:s20], [sflag:$0x1] =	stream.indirect_vreg.gather [hbm4b:s7+s4], $0x80, v3, vm0, $0xb8;
	[tilespmem:$0x1F880] =	vst v63  }
0xef: {  	s22 =	simm.s32 $0x9C80  }
0xf0: {  	[tilespmem:s22], [sflag:$0x1] =	stream.indirect_vreg.gather [hbm4b:s8+s4], $0x80, v3, vm0, $0xb8;
	[tilespmem:$0x1F880] =	vst v63  }
0xf1: {  	s25 =	simm.s32 $0xA480  }
0xf2: {  	[tilespmem:s25], [sflag:$0x1] =	stream.indirect_vreg.gather [hbm4b:s9+s4], $0x80, v3, vm0, $0xb8;
	[tilespmem:$0x1F880] =	vst v63  }
0xf3: {  	s2 =	simm.s32 $0xAC80  }
0xf4: {  	[tilespmem:s2], [sflag:$0x1] =	stream.indirect_vreg.gather [hbm4b:s10+s4], $0x80, v3, vm0, $0xb8;
	[tilespmem:$0x1F880] =	vst v63  }
0xf5: {  	s3 =	simm.s32 $0xB480  }
0xf6: {  	[tilespmem:s3], [sflag:$0x1] =	stream.indirect_vreg.gather [hbm4b:s11+s4], $0x80, v3, vm0, $0xb8;
	[tilespmem:$0x1F880] =	vst v63  }
0xf7: {  	s20 =	simm.s32 $0xBC80  }
0xf8: {  	[tilespmem:s20], [sflag:$0x1] =	stream.indirect_vreg.gather [hbm4b:s12+s4], $0x80, v3, vm0, $0xb8;
	[tilespmem:$0x1F880] =	vst v63  }
0xf9: {  	s22 =	simm.s32 $0xC480  }
0xfa: {  	[tilespmem:s22], [sflag:$0x1] =	stream.indirect_vreg.gather [hbm4b:s13+s4], $0x80, v3, vm0, $0xb8;
	[tilespmem:$0x1F880] =	vst v63  }
0xfb: {  	s25 =	simm.s32 $0xCC80  }
0xfc: {  	[tilespmem:s25], [sflag:$0x1] =	stream.indirect_vreg.gather [hbm4b:s14+s4], $0x80, v3, vm0, $0xb8;
	[tilespmem:$0x1F880] =	vst v63  }
0xfd: {  	s2 =	simm.s32 $0xD480  }
0xfe: {  	[tilespmem:s2], [sflag:$0x1] =	stream.indirect_vreg.gather [hbm4b:s15+s4], $0x80, v3, vm0, $0xb8;
	[tilespmem:$0x1F880] =	vst v63  }
0xff: {  	s3 =	simm.s32 $0xDC80  }
0x100: {  	[tilespmem:s3], [sflag:$0x1] =	stream.indirect_vreg.gather [hbm4b:s16+s4], $0x80, v3, vm0, $0xb8;
	[tilespmem:$0x1F880] =	vst v63  }
0x101: {  	s20 =	simm.s32 $0xE480  }
0x102: {  	[tilespmem:s20], [sflag:$0x1] =	stream.indirect_vreg.gather [hbm4b:s17+s4], $0x80, v3, vm0, $0xb8;
	[tilespmem:$0x1F880] =	vst v63  }
0x103: {  	s22 =	simm.s32 $0xEC80  }
0x104: {  	[tilespmem:s22], [sflag:$0x1] =	stream.indirect_vreg.gather [hbm4b:s18+s4], $0x80, v3, vm0, $0xb8;
	[tilespmem:$0x1F880] =	vst v63  }
0x105: {  	s25 =	simm.s32 $0xF480;
	s3 =	simm.s32 $0x2  }
0x106: {  	[tilespmem:s25], [sflag:$0x1] =	stream.indirect_vreg.gather [hbm4b:s19+s4], $0x80, v3, vm1, $0xb8;
	[tilespmem:$0x1F880] =	vst v63  }
0x107: {  	_ =	swait.ge [sflag:s3], $0xF800  }
0x108: {  	[sflag:s3] =	ssyncset.done $0x0  }
0x109: {  	[sflag:s3] =	ssyncadd.s32 $0xFFFF0800  }
0x10a: {  	_ =	swait.ge [sflag:s26], $0x800  }
0x10b: {  	s1 =	simm.s32 $0x8000;
	s20 =	simm.s32 $0x7C00;
	[sflag:s26] =	ssyncset.done $0x0  }
0x10c: {  	s25 =	simm.s32 $0xF880;
	s2 =	rddreg [dreg:$0x8];
	[sflag:s26] =	ssyncadd.s32 $0xFFFFF800  }
0x10d: {  	[hbm4b:s2+s20] =	stream.strided.scatter [tilespmem:s25], [sflag:$0x5], $0xF800, s1, s20, $0x38;
	[tilespmem:$0x1F880] =	vst v63  }
0x10e: {  	s30 =	simm.s32 $0x400;
	s29 =	simm.s32 $0x1F080;
	s22 =	rddreg [dreg:$0x9]  }
0x10f: {  	[hbm4b:s22+s30] =	stream.strided.scatter [tilespmem:s29], [sflag:$0x6], $0x800, s1, s30, $0x38;
	[tilespmem:$0x1F880] =	vst v63  }
0x110: {  	_ =	swait.ge [sflag:s31], $0x800  }
0x111: {  	s28 =	smov.u32 s21;
	s21 =	simm.s32 $0x10;
	[sflag:s31] =	ssyncset.done $0x0  }
0x112: {  	s2 =	simm.s32 $0x5;
	s22 =	rddreg [dreg:$0x16];
	[sflag:s31] =	ssyncadd.s32 $0xFFFFF800  }
0x113: {  	[tilespmem:s29], [sflag:$0x3] =	stream.indirect.gather [hbm4b:s28+s21], $0x80, s22, s21, $0xb8;
	[tilespmem:$0x1F880] =	vst v63  }
0x114: {  	_ =	swait.ge [sflag:s2], $0xF800  }
0x115: {  	[sflag:s2] =	ssyncset.done $0x0  }
0x116: {  	[sflag:s2] =	ssyncadd.s32 $0xFFFF0800  }
0x117: {  	v3 =	vld [tilespmem:$0x30];
	_ =	sdelay $0x4  }
0x118: {  	v59 =	vshll.u32 v3, $0x5  }
0x119: {  	v3 =	vand.u32 $0x7, v3;
	v4 =	vand.u32 $0xFFFFFF00, v59  }
0x11a: {  	v3 =	vor.u32 v3, v4  }
0x11b: {  	v4 =	vperm.xlane v3, v0;
	_ =	sdelay $0x1  }
0x11c: {  	v4 =	vadd.s32 v1, v4;
	_ =	sdelay $0x4  }
0x11d: {  	[tilespmem:s25], [sflag:$0x2] =	stream.indirect_vreg.gather [hbm4b:s24+s4], $0x80, v4, vm0, $0xb8;
	[tilespmem:$0x1F880] =	vst v63  }
0x11e: {  	s25 =	simm.s32 $0x10080  }
0x11f: {  	[tilespmem:s25], [sflag:$0x2] =	stream.indirect_vreg.gather [hbm4b:s5+s4], $0x80, v4, vm0, $0xb8;
	[tilespmem:$0x1F880] =	vst v63  }
0x120: {  	s29 =	smov.u32 s28;
	s28 =	simm.s32 $0x10880  }
0x121: {  	[tilespmem:s28], [sflag:$0x2] =	stream.indirect_vreg.gather [hbm4b:s6+s4], $0x80, v4, vm0, $0xb8;
	[tilespmem:$0x1F880] =	vst v63  }
0x122: {  	s30 =	simm.s32 $0x11080  }
0x123: {  	[tilespmem:s30], [sflag:$0x2] =	stream.indirect_vreg.gather [hbm4b:s7+s4], $0x80, v4, vm0, $0xb8;
	[tilespmem:$0x1F880] =	vst v63  }
0x124: {  	s1 =	simm.s32 $0x11880  }
0x125: {  	[tilespmem:s1], [sflag:$0x2] =	stream.indirect_vreg.gather [hbm4b:s8+s4], $0x80, v4, vm0, $0xb8;
	[tilespmem:$0x1F880] =	vst v63  }
0x126: {  	s21 =	simm.s32 $0x12080  }
0x127: {  	[tilespmem:s21], [sflag:$0x2] =	stream.indirect_vreg.gather [hbm4b:s9+s4], $0x80, v4, vm0, $0xb8;
	[tilespmem:$0x1F880] =	vst v63  }
0x128: {  	s22 =	simm.s32 $0x12880  }
0x129: {  	[tilespmem:s22], [sflag:$0x2] =	stream.indirect_vreg.gather [hbm4b:s10+s4], $0x80, v4, vm0, $0xb8;
	[tilespmem:$0x1F880] =	vst v63  }
0x12a: {  	s25 =	simm.s32 $0x13080  }
0x12b: {  	[tilespmem:s25], [sflag:$0x2] =	stream.indirect_vreg.gather [hbm4b:s11+s4], $0x80, v4, vm0, $0xb8;
	[tilespmem:$0x1F880] =	vst v63  }
0x12c: {  	s28 =	simm.s32 $0x13880  }
0x12d: {  	[tilespmem:s28], [sflag:$0x2] =	stream.indirect_vreg.gather [hbm4b:s12+s4], $0x80, v4, vm0, $0xb8;
	[tilespmem:$0x1F880] =	vst v63  }
0x12e: {  	s30 =	simm.s32 $0x14080  }
0x12f: {  	[tilespmem:s30], [sflag:$0x2] =	stream.indirect_vreg.gather [hbm4b:s13+s4], $0x80, v4, vm0, $0xb8;
	[tilespmem:$0x1F880] =	vst v63  }
0x130: {  	s1 =	simm.s32 $0x14880  }
0x131: {  	[tilespmem:s1], [sflag:$0x2] =	stream.indirect_vreg.gather [hbm4b:s14+s4], $0x80, v4, vm0, $0xb8;
	[tilespmem:$0x1F880] =	vst v63  }
0x132: {  	s21 =	simm.s32 $0x15080  }
0x133: {  	[tilespmem:s21], [sflag:$0x2] =	stream.indirect_vreg.gather [hbm4b:s15+s4], $0x80, v4, vm0, $0xb8;
	[tilespmem:$0x1F880] =	vst v63  }
0x134: {  	s22 =	simm.s32 $0x15880  }
0x135: {  	[tilespmem:s22], [sflag:$0x2] =	stream.indirect_vreg.gather [hbm4b:s16+s4], $0x80, v4, vm0, $0xb8;
	[tilespmem:$0x1F880] =	vst v63  }
0x136: {  	v3 =	vperm.xlane v3, v2;
	s25 =	simm.s32 $0x16080  }
0x137: {  	[tilespmem:s25], [sflag:$0x2] =	stream.indirect_vreg.gather [hbm4b:s17+s4], $0x80, v4, vm0, $0xb8;
	[tilespmem:$0x1F880] =	vst v63  }
0x138: {  	v3 =	vadd.s32 v1, v3;
	s28 =	simm.s32 $0x16880  }
0x139: {  	[tilespmem:s28], [sflag:$0x2] =	stream.indirect_vreg.gather [hbm4b:s18+s4], $0x80, v4, vm0, $0xb8;
	[tilespmem:$0x1F880] =	vst v63  }
0x13a: {  	s30 =	simm.s32 $0x17080  }
0x13b: {  	[tilespmem:s30], [sflag:$0x2] =	stream.indirect_vreg.gather [hbm4b:s19+s4], $0x80, v4, vm1, $0xb8;
	[tilespmem:$0x1F880] =	vst v63  }
0x13c: {  	s1 =	simm.s32 $0x17480  }
0x13d: {  	[tilespmem:s1], [sflag:$0x2] =	stream.indirect_vreg.gather [hbm4b:s24+s4], $0x80, v3, vm0, $0xb8;
	[tilespmem:$0x1F880] =	vst v63  }
0x13e: {  	s21 =	simm.s32 $0x17C80  }
0x13f: {  	[tilespmem:s21], [sflag:$0x2] =	stream.indirect_vreg.gather [hbm4b:s5+s4], $0x80, v3, vm0, $0xb8;
	[tilespmem:$0x1F880] =	vst v63  }
0x140: {  	s22 =	simm.s32 $0x18480  }
0x141: {  	[tilespmem:s22], [sflag:$0x2] =	stream.indirect_vreg.gather [hbm4b:s6+s4], $0x80, v3, vm0, $0xb8;
	[tilespmem:$0x1F880] =	vst v63  }
0x142: {  	s25 =	simm.s32 $0x18C80  }
0x143: {  	[tilespmem:s25], [sflag:$0x2] =	stream.indirect_vreg.gather [hbm4b:s7+s4], $0x80, v3, vm0, $0xb8;
	[tilespmem:$0x1F880] =	vst v63  }
0x144: {  	s28 =	simm.s32 $0x19480  }
0x145: {  	[tilespmem:s28], [sflag:$0x2] =	stream.indirect_vreg.gather [hbm4b:s8+s4], $0x80, v3, vm0, $0xb8;
	[tilespmem:$0x1F880] =	vst v63  }
0x146: {  	s30 =	simm.s32 $0x19C80  }
0x147: {  	[tilespmem:s30], [sflag:$0x2] =	stream.indirect_vreg.gather [hbm4b:s9+s4], $0x80, v3, vm0, $0xb8;
	[tilespmem:$0x1F880] =	vst v63  }
0x148: {  	s1 =	simm.s32 $0x1A480  }
0x149: {  	[tilespmem:s1], [sflag:$0x2] =	stream.indirect_vreg.gather [hbm4b:s10+s4], $0x80, v3, vm0, $0xb8;
	[tilespmem:$0x1F880] =	vst v63  }
0x14a: {  	s21 =	simm.s32 $0x1AC80  }
0x14b: {  	[tilespmem:s21], [sflag:$0x2] =	stream.indirect_vreg.gather [hbm4b:s11+s4], $0x80, v3, vm0, $0xb8;
	[tilespmem:$0x1F880] =	vst v63  }
0x14c: {  	s22 =	simm.s32 $0x1B480  }
0x14d: {  	[tilespmem:s22], [sflag:$0x2] =	stream.indirect_vreg.gather [hbm4b:s12+s4], $0x80, v3, vm0, $0xb8;
	[tilespmem:$0x1F880] =	vst v63  }
0x14e: {  	s25 =	simm.s32 $0x1BC80  }
0x14f: {  	[tilespmem:s25], [sflag:$0x2] =	stream.indirect_vreg.gather [hbm4b:s13+s4], $0x80, v3, vm0, $0xb8;
	[tilespmem:$0x1F880] =	vst v63  }
0x150: {  	s28 =	simm.s32 $0x1C480  }
0x151: {  	[tilespmem:s28], [sflag:$0x2] =	stream.indirect_vreg.gather [hbm4b:s14+s4], $0x80, v3, vm0, $0xb8;
	[tilespmem:$0x1F880] =	vst v63  }
0x152: {  	s30 =	simm.s32 $0x1CC80  }
0x153: {  	[tilespmem:s30], [sflag:$0x2] =	stream.indirect_vreg.gather [hbm4b:s15+s4], $0x80, v3, vm0, $0xb8;
	[tilespmem:$0x1F880] =	vst v63  }
0x154: {  	s1 =	simm.s32 $0x1D480  }
0x155: {  	[tilespmem:s1], [sflag:$0x2] =	stream.indirect_vreg.gather [hbm4b:s16+s4], $0x80, v3, vm0, $0xb8;
	[tilespmem:$0x1F880] =	vst v63  }
0x156: {  	s21 =	simm.s32 $0x1DC80  }
0x157: {  	[tilespmem:s21], [sflag:$0x2] =	stream.indirect_vreg.gather [hbm4b:s17+s4], $0x80, v3, vm0, $0xb8;
	[tilespmem:$0x1F880] =	vst v63  }
0x158: {  	s22 =	simm.s32 $0x1E480  }
0x159: {  	[tilespmem:s22], [sflag:$0x2] =	stream.indirect_vreg.gather [hbm4b:s18+s4], $0x80, v3, vm0, $0xb8;
	[tilespmem:$0x1F880] =	vst v63  }
0x15a: {  	s25 =	simm.s32 $0x1EC80;
	s28 =	simm.s32 $0x1  }
0x15b: {  	[tilespmem:s25], [sflag:$0x2] =	stream.indirect_vreg.gather [hbm4b:s19+s4], $0x80, v3, vm1, $0xb8;
	[tilespmem:$0x1F880] =	vst v63  }
0x15c: {  	_ =	swait.ge [sflag:s28], $0xF800  }
0x15d: {  	[sflag:s28] =	ssyncset.done $0x0  }
0x15e: {  	[sflag:s28] =	ssyncadd.s32 $0xFFFF0800  }
0x15f: {  	_ =	swait.ge [sflag:s26], $0x800  }
0x160: {  	s21 =	simm.s32 $0x8000;
	s25 =	simm.s32 $0x7C00;
	[sflag:s26] =	ssyncset.done $0x0  }
0x161: {  	s28 =	simm.s32 $0x80;
	s30 =	rddreg [dreg:$0xa];
	[sflag:s26] =	ssyncadd.s32 $0xFFFFF800  }
0x162: {  	[hbm4b:s30+s25] =	stream.strided.scatter [tilespmem:s28], [sflag:$0x4], $0xF800, s21, s25, $0x38;
	[tilespmem:$0x1F880] =	vst v63  }
0x163: {  	s0 =	simm.s32 $0x1F080;
	s20 =	simm.s32 $0x400;
	s1 =	rddreg [dreg:$0xb]  }
0x164: {  	[hbm4b:s1+s20] =	stream.strided.scatter [tilespmem:s0], [sflag:$0x6], $0x800, s21, s20, $0x38;
	[tilespmem:$0x1F880] =	vst v63  }
0x165: {  	_ =	swait.ge [sflag:s31], $0x800  }
0x166: {  	[sflag:s31] =	ssyncset.done $0x0  }
0x167: {  	s21 =	simm.s32 $0x10;
	s1 =	rddreg [dreg:$0x17];
	[sflag:s31] =	ssyncadd.s32 $0xFFFFF800  }
0x168: {  	[tilespmem:s0], [sflag:$0x3] =	stream.indirect.gather [hbm4b:s29+s21], $0x80, s1, s21, $0xb8;
	[tilespmem:$0x1F880] =	vst v63  }
0x169: {  	_ =	swait.ge [sflag:s23], $0xF800  }
0x16a: {  	[sflag:s23] =	ssyncset.done $0x0  }
0x16b: {  	[sflag:s23] =	ssyncadd.s32 $0xFFFF0800  }
0x16c: {  	v3 =	vld [tilespmem:$0x40];
	_ =	sdelay $0x4  }
0x16d: {  	v60 =	vshll.u32 v3, $0x5  }
0x16e: {  	v3 =	vand.u32 $0x7, v3;
	v4 =	vand.u32 $0xFFFFFF00, v60  }
0x16f: {  	v3 =	vor.u32 v3, v4  }
0x170: {  	v4 =	vperm.xlane v3, v0;
	_ =	sdelay $0x1  }
0x171: {  	v4 =	vadd.s32 v1, v4;
	_ =	sdelay $0x4  }
0x172: {  	[tilespmem:s28], [sflag:$0x1] =	stream.indirect_vreg.gather [hbm4b:s24+s4], $0x80, v4, vm0, $0xb8;
	[tilespmem:$0x1F880] =	vst v63  }
0x173: {  	s22 =	simm.s32 $0x880  }
0x174: {  	[tilespmem:s22], [sflag:$0x1] =	stream.indirect_vreg.gather [hbm4b:s5+s4], $0x80, v4, vm0, $0xb8;
	[tilespmem:$0x1F880] =	vst v63  }
0x175: {  	s28 =	simm.s32 $0x1080  }
0x176: {  	[tilespmem:s28], [sflag:$0x1] =	stream.indirect_vreg.gather [hbm4b:s6+s4], $0x80, v4, vm0, $0xb8;
	[tilespmem:$0x1F880] =	vst v63  }
0x177: {  	s1 =	simm.s32 $0x1880  }
0x178: {  	[tilespmem:s1], [sflag:$0x1] =	stream.indirect_vreg.gather [hbm4b:s7+s4], $0x80, v4, vm0, $0xb8;
	[tilespmem:$0x1F880] =	vst v63  }
0x179: {  	s22 =	simm.s32 $0x2080  }
0x17a: {  	[tilespmem:s22], [sflag:$0x1] =	stream.indirect_vreg.gather [hbm4b:s8+s4], $0x80, v4, vm0, $0xb8;
	[tilespmem:$0x1F880] =	vst v63  }
0x17b: {  	s28 =	simm.s32 $0x2880  }
0x17c: {  	[tilespmem:s28], [sflag:$0x1] =	stream.indirect_vreg.gather [hbm4b:s9+s4], $0x80, v4, vm0, $0xb8;
	[tilespmem:$0x1F880] =	vst v63  }
0x17d: {  	s1 =	simm.s32 $0x3080  }
0x17e: {  	[tilespmem:s1], [sflag:$0x1] =	stream.indirect_vreg.gather [hbm4b:s10+s4], $0x80, v4, vm0, $0xb8;
	[tilespmem:$0x1F880] =	vst v63  }
0x17f: {  	s22 =	simm.s32 $0x3880  }
0x180: {  	[tilespmem:s22], [sflag:$0x1] =	stream.indirect_vreg.gather [hbm4b:s11+s4], $0x80, v4, vm0, $0xb8;
	[tilespmem:$0x1F880] =	vst v63  }
0x181: {  	s28 =	simm.s32 $0x4080  }
0x182: {  	[tilespmem:s28], [sflag:$0x1] =	stream.indirect_vreg.gather [hbm4b:s12+s4], $0x80, v4, vm0, $0xb8;
	[tilespmem:$0x1F880] =	vst v63  }
0x183: {  	s1 =	simm.s32 $0x4880  }
0x184: {  	[tilespmem:s1], [sflag:$0x1] =	stream.indirect_vreg.gather [hbm4b:s13+s4], $0x80, v4, vm0, $0xb8;
	[tilespmem:$0x1F880] =	vst v63  }
0x185: {  	s22 =	simm.s32 $0x5080  }
0x186: {  	[tilespmem:s22], [sflag:$0x1] =	stream.indirect_vreg.gather [hbm4b:s14+s4], $0x80, v4, vm0, $0xb8;
	[tilespmem:$0x1F880] =	vst v63  }
0x187: {  	s28 =	simm.s32 $0x5880  }
0x188: {  	[tilespmem:s28], [sflag:$0x1] =	stream.indirect_vreg.gather [hbm4b:s15+s4], $0x80, v4, vm0, $0xb8;
	[tilespmem:$0x1F880] =	vst v63  }
0x189: {  	s1 =	simm.s32 $0x6080  }
0x18a: {  	[tilespmem:s1], [sflag:$0x1] =	stream.indirect_vreg.gather [hbm4b:s16+s4], $0x80, v4, vm0, $0xb8;
	[tilespmem:$0x1F880] =	vst v63  }
0x18b: {  	v3 =	vperm.xlane v3, v2;
	s22 =	simm.s32 $0x6880  }
0x18c: {  	[tilespmem:s22], [sflag:$0x1] =	stream.indirect_vreg.gather [hbm4b:s17+s4], $0x80, v4, vm0, $0xb8;
	[tilespmem:$0x1F880] =	vst v63  }
0x18d: {  	v3 =	vadd.s32 v1, v3;
	s28 =	simm.s32 $0x7080  }
0x18e: {  	[tilespmem:s28], [sflag:$0x1] =	stream.indirect_vreg.gather [hbm4b:s18+s4], $0x80, v4, vm0, $0xb8;
	[tilespmem:$0x1F880] =	vst v63  }
0x18f: {  	s1 =	simm.s32 $0x7880  }
0x190: {  	[tilespmem:s1], [sflag:$0x1] =	stream.indirect_vreg.gather [hbm4b:s19+s4], $0x80, v4, vm1, $0xb8;
	[tilespmem:$0x1F880] =	vst v63  }
0x191: {  	s22 =	simm.s32 $0x7C80  }
0x192: {  	[tilespmem:s22], [sflag:$0x1] =	stream.indirect_vreg.gather [hbm4b:s24+s4], $0x80, v3, vm0, $0xb8;
	[tilespmem:$0x1F880] =	vst v63  }
0x193: {  	s28 =	simm.s32 $0x8480  }
0x194: {  	[tilespmem:s28], [sflag:$0x1] =	stream.indirect_vreg.gather [hbm4b:s5+s4], $0x80, v3, vm0, $0xb8;
	[tilespmem:$0x1F880] =	vst v63  }
0x195: {  	s1 =	simm.s32 $0x8C80  }
0x196: {  	[tilespmem:s1], [sflag:$0x1] =	stream.indirect_vreg.gather [hbm4b:s6+s4], $0x80, v3, vm0, $0xb8;
	[tilespmem:$0x1F880] =	vst v63  }
0x197: {  	s22 =	simm.s32 $0x9480  }
0x198: {  	[tilespmem:s22], [sflag:$0x1] =	stream.indirect_vreg.gather [hbm4b:s7+s4], $0x80, v3, vm0, $0xb8;
	[tilespmem:$0x1F880] =	vst v63  }
0x199: {  	s28 =	simm.s32 $0x9C80  }
0x19a: {  	[tilespmem:s28], [sflag:$0x1] =	stream.indirect_vreg.gather [hbm4b:s8+s4], $0x80, v3, vm0, $0xb8;
	[tilespmem:$0x1F880] =	vst v63  }
0x19b: {  	s1 =	simm.s32 $0xA480  }
0x19c: {  	[tilespmem:s1], [sflag:$0x1] =	stream.indirect_vreg.gather [hbm4b:s9+s4], $0x80, v3, vm0, $0xb8;
	[tilespmem:$0x1F880] =	vst v63  }
0x19d: {  	s22 =	simm.s32 $0xAC80  }
0x19e: {  	[tilespmem:s22], [sflag:$0x1] =	stream.indirect_vreg.gather [hbm4b:s10+s4], $0x80, v3, vm0, $0xb8;
	[tilespmem:$0x1F880] =	vst v63  }
0x19f: {  	s28 =	simm.s32 $0xB480  }
0x1a0: {  	[tilespmem:s28], [sflag:$0x1] =	stream.indirect_vreg.gather [hbm4b:s11+s4], $0x80, v3, vm0, $0xb8;
	[tilespmem:$0x1F880] =	vst v63  }
0x1a1: {  	s1 =	simm.s32 $0xBC80  }
0x1a2: {  	[tilespmem:s1], [sflag:$0x1] =	stream.indirect_vreg.gather [hbm4b:s12+s4], $0x80, v3, vm0, $0xb8;
	[tilespmem:$0x1F880] =	vst v63  }
0x1a3: {  	s22 =	simm.s32 $0xC480  }
0x1a4: {  	[tilespmem:s22], [sflag:$0x1] =	stream.indirect_vreg.gather [hbm4b:s13+s4], $0x80, v3, vm0, $0xb8;
	[tilespmem:$0x1F880] =	vst v63  }
0x1a5: {  	s28 =	simm.s32 $0xCC80  }
0x1a6: {  	[tilespmem:s28], [sflag:$0x1] =	stream.indirect_vreg.gather [hbm4b:s14+s4], $0x80, v3, vm0, $0xb8;
	[tilespmem:$0x1F880] =	vst v63  }
0x1a7: {  	s1 =	simm.s32 $0xD480  }
0x1a8: {  	[tilespmem:s1], [sflag:$0x1] =	stream.indirect_vreg.gather [hbm4b:s15+s4], $0x80, v3, vm0, $0xb8;
	[tilespmem:$0x1F880] =	vst v63  }
0x1a9: {  	s22 =	simm.s32 $0xDC80  }
0x1aa: {  	[tilespmem:s22], [sflag:$0x1] =	stream.indirect_vreg.gather [hbm4b:s16+s4], $0x80, v3, vm0, $0xb8;
	[tilespmem:$0x1F880] =	vst v63  }
0x1ab: {  	s28 =	simm.s32 $0xE480  }
0x1ac: {  	[tilespmem:s28], [sflag:$0x1] =	stream.indirect_vreg.gather [hbm4b:s17+s4], $0x80, v3, vm0, $0xb8;
	[tilespmem:$0x1F880] =	vst v63  }
0x1ad: {  	s1 =	simm.s32 $0xEC80  }
0x1ae: {  	[tilespmem:s1], [sflag:$0x1] =	stream.indirect_vreg.gather [hbm4b:s18+s4], $0x80, v3, vm0, $0xb8;
	[tilespmem:$0x1F880] =	vst v63  }
0x1af: {  	s22 =	simm.s32 $0xF480  }
0x1b0: {  	[tilespmem:s22], [sflag:$0x1] =	stream.indirect_vreg.gather [hbm4b:s19+s4], $0x80, v3, vm1, $0xb8;
	[tilespmem:$0x1F880] =	vst v63  }
0x1b1: {  	_ =	swait.ge [sflag:s3], $0xF800  }
0x1b2: {  	[sflag:s3] =	ssyncset.done $0x0  }
0x1b3: {  	[sflag:s3] =	ssyncadd.s32 $0xFFFF0800  }
0x1b4: {  	_ =	swait.ge [sflag:s26], $0x800  }
0x1b5: {  	s20 =	simm.s32 $0x8000;
	[sflag:s26] =	ssyncset.done $0x0  }
0x1b6: {  	s1 =	simm.s32 $0xF880;
	s28 =	rddreg [dreg:$0xc];
	[sflag:s26] =	ssyncadd.s32 $0xFFFFF800  }
0x1b7: {  	[hbm4b:s28+s25] =	stream.strided.scatter [tilespmem:s1], [sflag:$0x5], $0xF800, s20, s25, $0x38;
	[tilespmem:$0x1F880] =	vst v63  }
0x1b8: {  	s30 =	simm.s32 $0x1F080;
	s22 =	rddreg [dreg:$0xd];
	s25 =	simm.s32 $0x400  }
0x1b9: {  	[hbm4b:s22+s25] =	stream.strided.scatter [tilespmem:s30], [sflag:$0x6], $0x800, s20, s25, $0x38;
	[tilespmem:$0x1F880] =	vst v63  }
0x1ba: {  	_ =	swait.ge [sflag:s31], $0x800  }
0x1bb: {  	[sflag:s31] =	ssyncset.done $0x0  }
0x1bc: {  	s25 =	rddreg [dreg:$0x18];
	[sflag:s31] =	ssyncadd.s32 $0xFFFFF800  }
0x1bd: {  	[tilespmem:s30], [sflag:$0x3] =	stream.indirect.gather [hbm4b:s29+s21], $0x80, s25, s21, $0xb8;
	[tilespmem:$0x1F880] =	vst v63  }
0x1be: {  	_ =	swait.ge [sflag:s2], $0xF800  }
0x1bf: {  	[sflag:s2] =	ssyncset.done $0x0  }
0x1c0: {  	[sflag:s2] =	ssyncadd.s32 $0xFFFF0800  }
0x1c1: {  	v3 =	vld [tilespmem:$0x50];
	_ =	sdelay $0x4  }
0x1c2: {  	v61 =	vshll.u32 v3, $0x5  }
0x1c3: {  	v3 =	vand.u32 $0x7, v3;
	v4 =	vand.u32 $0xFFFFFF00, v61  }
0x1c4: {  	v3 =	vor.u32 v3, v4  }
0x1c5: {  	v4 =	vperm.xlane v3, v0;
	_ =	sdelay $0x1  }
0x1c6: {  	v4 =	vadd.s32 v1, v4;
	_ =	sdelay $0x4  }
0x1c7: {  	[tilespmem:s1], [sflag:$0x2] =	stream.indirect_vreg.gather [hbm4b:s24+s4], $0x80, v4, vm0, $0xb8;
	[tilespmem:$0x1F880] =	vst v63  }
0x1c8: {  	s20 =	simm.s32 $0x10080  }
0x1c9: {  	[tilespmem:s20], [sflag:$0x2] =	stream.indirect_vreg.gather [hbm4b:s5+s4], $0x80, v4, vm0, $0xb8;
	[tilespmem:$0x1F880] =	vst v63  }
0x1ca: {  	s22 =	simm.s32 $0x10880  }
0x1cb: {  	[tilespmem:s22], [sflag:$0x2] =	stream.indirect_vreg.gather [hbm4b:s6+s4], $0x80, v4, vm0, $0xb8;
	[tilespmem:$0x1F880] =	vst v63  }
0x1cc: {  	s25 =	simm.s32 $0x11080  }
0x1cd: {  	[tilespmem:s25], [sflag:$0x2] =	stream.indirect_vreg.gather [hbm4b:s7+s4], $0x80, v4, vm0, $0xb8;
	[tilespmem:$0x1F880] =	vst v63  }
0x1ce: {  	s21 =	smov.u32 s29;
	s29 =	simm.s32 $0x11880  }
0x1cf: {  	[tilespmem:s29], [sflag:$0x2] =	stream.indirect_vreg.gather [hbm4b:s8+s4], $0x80, v4, vm0, $0xb8;
	[tilespmem:$0x1F880] =	vst v63  }
0x1d0: {  	s1 =	simm.s32 $0x12080  }
0x1d1: {  	[tilespmem:s1], [sflag:$0x2] =	stream.indirect_vreg.gather [hbm4b:s9+s4], $0x80, v4, vm0, $0xb8;
	[tilespmem:$0x1F880] =	vst v63  }
0x1d2: {  	s20 =	simm.s32 $0x12880  }
0x1d3: {  	[tilespmem:s20], [sflag:$0x2] =	stream.indirect_vreg.gather [hbm4b:s10+s4], $0x80, v4, vm0, $0xb8;
	[tilespmem:$0x1F880] =	vst v63  }
0x1d4: {  	s22 =	simm.s32 $0x13080  }
0x1d5: {  	[tilespmem:s22], [sflag:$0x2] =	stream.indirect_vreg.gather [hbm4b:s11+s4], $0x80, v4, vm0, $0xb8;
	[tilespmem:$0x1F880] =	vst v63  }
0x1d6: {  	s25 =	simm.s32 $0x13880  }
0x1d7: {  	[tilespmem:s25], [sflag:$0x2] =	stream.indirect_vreg.gather [hbm4b:s12+s4], $0x80, v4, vm0, $0xb8;
	[tilespmem:$0x1F880] =	vst v63  }
0x1d8: {  	s29 =	simm.s32 $0x14080  }
0x1d9: {  	[tilespmem:s29], [sflag:$0x2] =	stream.indirect_vreg.gather [hbm4b:s13+s4], $0x80, v4, vm0, $0xb8;
	[tilespmem:$0x1F880] =	vst v63  }
0x1da: {  	s1 =	simm.s32 $0x14880  }
0x1db: {  	[tilespmem:s1], [sflag:$0x2] =	stream.indirect_vreg.gather [hbm4b:s14+s4], $0x80, v4, vm0, $0xb8;
	[tilespmem:$0x1F880] =	vst v63  }
0x1dc: {  	s20 =	simm.s32 $0x15080  }
0x1dd: {  	[tilespmem:s20], [sflag:$0x2] =	stream.indirect_vreg.gather [hbm4b:s15+s4], $0x80, v4, vm0, $0xb8;
	[tilespmem:$0x1F880] =	vst v63  }
0x1de: {  	s22 =	simm.s32 $0x15880  }
0x1df: {  	[tilespmem:s22], [sflag:$0x2] =	stream.indirect_vreg.gather [hbm4b:s16+s4], $0x80, v4, vm0, $0xb8;
	[tilespmem:$0x1F880] =	vst v63  }
0x1e0: {  	v3 =	vperm.xlane v3, v2;
	s25 =	simm.s32 $0x16080  }
0x1e1: {  	[tilespmem:s25], [sflag:$0x2] =	stream.indirect_vreg.gather [hbm4b:s17+s4], $0x80, v4, vm0, $0xb8;
	[tilespmem:$0x1F880] =	vst v63  }
0x1e2: {  	v3 =	vadd.s32 v1, v3;
	s29 =	simm.s32 $0x16880  }
0x1e3: {  	[tilespmem:s29], [sflag:$0x2] =	stream.indirect_vreg.gather [hbm4b:s18+s4], $0x80, v4, vm0, $0xb8;
	[tilespmem:$0x1F880] =	vst v63  }
0x1e4: {  	s1 =	simm.s32 $0x17080  }
0x1e5: {  	[tilespmem:s1], [sflag:$0x2] =	stream.indirect_vreg.gather [hbm4b:s19+s4], $0x80, v4, vm1, $0xb8;
	[tilespmem:$0x1F880] =	vst v63  }
0x1e6: {  	s20 =	simm.s32 $0x17480  }
0x1e7: {  	[tilespmem:s20], [sflag:$0x2] =	stream.indirect_vreg.gather [hbm4b:s24+s4], $0x80, v3, vm0, $0xb8;
	[tilespmem:$0x1F880] =	vst v63  }
0x1e8: {  	s22 =	simm.s32 $0x17C80  }
0x1e9: {  	[tilespmem:s22], [sflag:$0x2] =	stream.indirect_vreg.gather [hbm4b:s5+s4], $0x80, v3, vm0, $0xb8;
	[tilespmem:$0x1F880] =	vst v63  }
0x1ea: {  	s25 =	simm.s32 $0x18480  }
0x1eb: {  	[tilespmem:s25], [sflag:$0x2] =	stream.indirect_vreg.gather [hbm4b:s6+s4], $0x80, v3, vm0, $0xb8;
	[tilespmem:$0x1F880] =	vst v63  }
0x1ec: {  	s29 =	simm.s32 $0x18C80  }
0x1ed: {  	[tilespmem:s29], [sflag:$0x2] =	stream.indirect_vreg.gather [hbm4b:s7+s4], $0x80, v3, vm0, $0xb8;
	[tilespmem:$0x1F880] =	vst v63  }
0x1ee: {  	s1 =	simm.s32 $0x19480  }
0x1ef: {  	[tilespmem:s1], [sflag:$0x2] =	stream.indirect_vreg.gather [hbm4b:s8+s4], $0x80, v3, vm0, $0xb8;
	[tilespmem:$0x1F880] =	vst v63  }
0x1f0: {  	s20 =	simm.s32 $0x19C80  }
0x1f1: {  	[tilespmem:s20], [sflag:$0x2] =	stream.indirect_vreg.gather [hbm4b:s9+s4], $0x80, v3, vm0, $0xb8;
	[tilespmem:$0x1F880] =	vst v63  }
0x1f2: {  	s22 =	simm.s32 $0x1A480  }
0x1f3: {  	[tilespmem:s22], [sflag:$0x2] =	stream.indirect_vreg.gather [hbm4b:s10+s4], $0x80, v3, vm0, $0xb8;
	[tilespmem:$0x1F880] =	vst v63  }
0x1f4: {  	s25 =	simm.s32 $0x1AC80  }
0x1f5: {  	[tilespmem:s25], [sflag:$0x2] =	stream.indirect_vreg.gather [hbm4b:s11+s4], $0x80, v3, vm0, $0xb8;
	[tilespmem:$0x1F880] =	vst v63  }
0x1f6: {  	s29 =	simm.s32 $0x1B480  }
0x1f7: {  	[tilespmem:s29], [sflag:$0x2] =	stream.indirect_vreg.gather [hbm4b:s12+s4], $0x80, v3, vm0, $0xb8;
	[tilespmem:$0x1F880] =	vst v63  }
0x1f8: {  	s1 =	simm.s32 $0x1BC80  }
0x1f9: {  	[tilespmem:s1], [sflag:$0x2] =	stream.indirect_vreg.gather [hbm4b:s13+s4], $0x80, v3, vm0, $0xb8;
	[tilespmem:$0x1F880] =	vst v63  }
0x1fa: {  	s20 =	simm.s32 $0x1C480  }
0x1fb: {  	[tilespmem:s20], [sflag:$0x2] =	stream.indirect_vreg.gather [hbm4b:s14+s4], $0x80, v3, vm0, $0xb8;
	[tilespmem:$0x1F880] =	vst v63  }
0x1fc: {  	s22 =	simm.s32 $0x1CC80  }
0x1fd: {  	[tilespmem:s22], [sflag:$0x2] =	stream.indirect_vreg.gather [hbm4b:s15+s4], $0x80, v3, vm0, $0xb8;
	[tilespmem:$0x1F880] =	vst v63  }
0x1fe: {  	s25 =	simm.s32 $0x1D480  }
0x1ff: {  	[tilespmem:s25], [sflag:$0x2] =	stream.indirect_vreg.gather [hbm4b:s16+s4], $0x80, v3, vm0, $0xb8;
	[tilespmem:$0x1F880] =	vst v63  }
0x200: {  	s29 =	simm.s32 $0x1DC80  }
0x201: {  	[tilespmem:s29], [sflag:$0x2] =	stream.indirect_vreg.gather [hbm4b:s17+s4], $0x80, v3, vm0, $0xb8;
	[tilespmem:$0x1F880] =	vst v63  }
0x202: {  	s1 =	simm.s32 $0x1E480  }
0x203: {  	[tilespmem:s1], [sflag:$0x2] =	stream.indirect_vreg.gather [hbm4b:s18+s4], $0x80, v3, vm0, $0xb8;
	[tilespmem:$0x1F880] =	vst v63  }
0x204: {  	s20 =	simm.s32 $0x1EC80;
	s22 =	simm.s32 $0x1  }
0x205: {  	[tilespmem:s20], [sflag:$0x2] =	stream.indirect_vreg.gather [hbm4b:s19+s4], $0x80, v3, vm1, $0xb8;
	[tilespmem:$0x1F880] =	vst v63  }
0x206: {  	_ =	swait.ge [sflag:s22], $0xF800  }
0x207: {  	[sflag:s22] =	ssyncset.done $0x0  }
0x208: {  	[sflag:s22] =	ssyncadd.s32 $0xFFFF0800  }
0x209: {  	_ =	swait.ge [sflag:s26], $0x800  }
0x20a: {  	s28 =	simm.s32 $0x7C00;
	s29 =	simm.s32 $0x80;
	[sflag:s26] =	ssyncset.done $0x0  }
0x20b: {  	s20 =	simm.s32 $0x8000;
	s25 =	rddreg [dreg:$0xe];
	[sflag:s26] =	ssyncadd.s32 $0xFFFFF800  }
0x20c: {  	[hbm4b:s25+s28] =	stream.strided.scatter [tilespmem:s29], [sflag:$0x4], $0xF800, s20, s28, $0x38;
	[tilespmem:$0x1F880] =	vst v63  }
0x20d: {  	s1 =	rddreg [dreg:$0xf];
	s25 =	simm.s32 $0x400  }
0x20e: {  	[hbm4b:s1+s25] =	stream.strided.scatter [tilespmem:s30], [sflag:$0x6], $0x800, s20, s25, $0x38;
	[tilespmem:$0x1F880] =	vst v63  }
0x20f: {  	_ =	swait.ge [sflag:s31], $0x800  }
0x210: {  	[sflag:s31] =	ssyncset.done $0x0  }
0x211: {  	s20 =	simm.s32 $0x10;
	s22 =	rddreg [dreg:$0x19];
	[sflag:s31] =	ssyncadd.s32 $0xFFFFF800  }
0x212: {  	[tilespmem:s30], [sflag:$0x3] =	stream.indirect.gather [hbm4b:s21+s20], $0x80, s22, s20, $0xb8;
	[tilespmem:$0x1F880] =	vst v63  }
0x213: {  	_ =	swait.ge [sflag:s23], $0xF800  }
0x214: {  	[sflag:s23] =	ssyncset.done $0x0  }
0x215: {  	[sflag:s23] =	ssyncadd.s32 $0xFFFF0800  }
0x216: {  	v3 =	vld [tilespmem:$0x60];
	_ =	sdelay $0x4  }
0x217: {  	v62 =	vshll.u32 v3, $0x5  }
0x218: {  	v3 =	vand.u32 $0x7, v3;
	v4 =	vand.u32 $0xFFFFFF00, v62  }
0x219: {  	v3 =	vor.u32 v3, v4  }
0x21a: {  	v4 =	vperm.xlane v3, v0;
	_ =	sdelay $0x1  }
0x21b: {  	v4 =	vadd.s32 v1, v4;
	_ =	sdelay $0x4  }
0x21c: {  	[tilespmem:s29], [sflag:$0x1] =	stream.indirect_vreg.gather [hbm4b:s24+s4], $0x80, v4, vm0, $0xb8;
	[tilespmem:$0x1F880] =	vst v63  }
0x21d: {  	s29 =	simm.s32 $0x880  }
0x21e: {  	[tilespmem:s29], [sflag:$0x1] =	stream.indirect_vreg.gather [hbm4b:s5+s4], $0x80, v4, vm0, $0xb8;
	[tilespmem:$0x1F880] =	vst v63  }
0x21f: {  	s22 =	simm.s32 $0x1080  }
0x220: {  	[tilespmem:s22], [sflag:$0x1] =	stream.indirect_vreg.gather [hbm4b:s6+s4], $0x80, v4, vm0, $0xb8;
	[tilespmem:$0x1F880] =	vst v63  }
0x221: {  	s29 =	simm.s32 $0x1880  }
0x222: {  	[tilespmem:s29], [sflag:$0x1] =	stream.indirect_vreg.gather [hbm4b:s7+s4], $0x80, v4, vm0, $0xb8;
	[tilespmem:$0x1F880] =	vst v63  }
0x223: {  	s22 =	simm.s32 $0x2080  }
0x224: {  	[tilespmem:s22], [sflag:$0x1] =	stream.indirect_vreg.gather [hbm4b:s8+s4], $0x80, v4, vm0, $0xb8;
	[tilespmem:$0x1F880] =	vst v63  }
0x225: {  	s29 =	simm.s32 $0x2880  }
0x226: {  	[tilespmem:s29], [sflag:$0x1] =	stream.indirect_vreg.gather [hbm4b:s9+s4], $0x80, v4, vm0, $0xb8;
	[tilespmem:$0x1F880] =	vst v63  }
0x227: {  	s22 =	simm.s32 $0x3080  }
0x228: {  	[tilespmem:s22], [sflag:$0x1] =	stream.indirect_vreg.gather [hbm4b:s10+s4], $0x80, v4, vm0, $0xb8;
	[tilespmem:$0x1F880] =	vst v63  }
0x229: {  	s29 =	simm.s32 $0x3880  }
0x22a: {  	[tilespmem:s29], [sflag:$0x1] =	stream.indirect_vreg.gather [hbm4b:s11+s4], $0x80, v4, vm0, $0xb8;
	[tilespmem:$0x1F880] =	vst v63  }
0x22b: {  	s22 =	simm.s32 $0x4080  }
0x22c: {  	[tilespmem:s22], [sflag:$0x1] =	stream.indirect_vreg.gather [hbm4b:s12+s4], $0x80, v4, vm0, $0xb8;
	[tilespmem:$0x1F880] =	vst v63  }
0x22d: {  	s29 =	simm.s32 $0x4880  }
0x22e: {  	[tilespmem:s29], [sflag:$0x1] =	stream.indirect_vreg.gather [hbm4b:s13+s4], $0x80, v4, vm0, $0xb8;
	[tilespmem:$0x1F880] =	vst v63  }
0x22f: {  	s22 =	simm.s32 $0x5080  }
0x230: {  	[tilespmem:s22], [sflag:$0x1] =	stream.indirect_vreg.gather [hbm4b:s14+s4], $0x80, v4, vm0, $0xb8;
	[tilespmem:$0x1F880] =	vst v63  }
0x231: {  	s29 =	simm.s32 $0x5880  }
0x232: {  	[tilespmem:s29], [sflag:$0x1] =	stream.indirect_vreg.gather [hbm4b:s15+s4], $0x80, v4, vm0, $0xb8;
	[tilespmem:$0x1F880] =	vst v63  }
0x233: {  	s22 =	simm.s32 $0x6080  }
0x234: {  	[tilespmem:s22], [sflag:$0x1] =	stream.indirect_vreg.gather [hbm4b:s16+s4], $0x80, v4, vm0, $0xb8;
	[tilespmem:$0x1F880] =	vst v63  }
0x235: {  	v3 =	vperm.xlane v3, v2;
	s29 =	simm.s32 $0x6880  }
0x236: {  	[tilespmem:s29], [sflag:$0x1] =	stream.indirect_vreg.gather [hbm4b:s17+s4], $0x80, v4, vm0, $0xb8;
	[tilespmem:$0x1F880] =	vst v63  }
0x237: {  	v3 =	vadd.s32 v1, v3;
	s22 =	simm.s32 $0x7080  }
0x238: {  	[tilespmem:s22], [sflag:$0x1] =	stream.indirect_vreg.gather [hbm4b:s18+s4], $0x80, v4, vm0, $0xb8;
	[tilespmem:$0x1F880] =	vst v63  }
0x239: {  	s29 =	simm.s32 $0x7880  }
0x23a: {  	[tilespmem:s29], [sflag:$0x1] =	stream.indirect_vreg.gather [hbm4b:s19+s4], $0x80, v4, vm1, $0xb8;
	[tilespmem:$0x1F880] =	vst v63  }
0x23b: {  	s22 =	simm.s32 $0x7C80  }
0x23c: {  	[tilespmem:s22], [sflag:$0x1] =	stream.indirect_vreg.gather [hbm4b:s24+s4], $0x80, v3, vm0, $0xb8;
	[tilespmem:$0x1F880] =	vst v63  }
0x23d: {  	s29 =	simm.s32 $0x8480  }
0x23e: {  	[tilespmem:s29], [sflag:$0x1] =	stream.indirect_vreg.gather [hbm4b:s5+s4], $0x80, v3, vm0, $0xb8;
	[tilespmem:$0x1F880] =	vst v63  }
0x23f: {  	s22 =	simm.s32 $0x8C80  }
0x240: {  	[tilespmem:s22], [sflag:$0x1] =	stream.indirect_vreg.gather [hbm4b:s6+s4], $0x80, v3, vm0, $0xb8;
	[tilespmem:$0x1F880] =	vst v63  }
0x241: {  	s29 =	simm.s32 $0x9480  }
0x242: {  	[tilespmem:s29], [sflag:$0x1] =	stream.indirect_vreg.gather [hbm4b:s7+s4], $0x80, v3, vm0, $0xb8;
	[tilespmem:$0x1F880] =	vst v63  }
0x243: {  	s22 =	simm.s32 $0x9C80  }
0x244: {  	[tilespmem:s22], [sflag:$0x1] =	stream.indirect_vreg.gather [hbm4b:s8+s4], $0x80, v3, vm0, $0xb8;
	[tilespmem:$0x1F880] =	vst v63  }
0x245: {  	s29 =	simm.s32 $0xA480  }
0x246: {  	[tilespmem:s29], [sflag:$0x1] =	stream.indirect_vreg.gather [hbm4b:s9+s4], $0x80, v3, vm0, $0xb8;
	[tilespmem:$0x1F880] =	vst v63  }
0x247: {  	s22 =	simm.s32 $0xAC80  }
0x248: {  	[tilespmem:s22], [sflag:$0x1] =	stream.indirect_vreg.gather [hbm4b:s10+s4], $0x80, v3, vm0, $0xb8;
	[tilespmem:$0x1F880] =	vst v63  }
0x249: {  	s29 =	simm.s32 $0xB480  }
0x24a: {  	[tilespmem:s29], [sflag:$0x1] =	stream.indirect_vreg.gather [hbm4b:s11+s4], $0x80, v3, vm0, $0xb8;
	[tilespmem:$0x1F880] =	vst v63  }
0x24b: {  	s22 =	simm.s32 $0xBC80  }
0x24c: {  	[tilespmem:s22], [sflag:$0x1] =	stream.indirect_vreg.gather [hbm4b:s12+s4], $0x80, v3, vm0, $0xb8;
	[tilespmem:$0x1F880] =	vst v63  }
0x24d: {  	s29 =	simm.s32 $0xC480  }
0x24e: {  	[tilespmem:s29], [sflag:$0x1] =	stream.indirect_vreg.gather [hbm4b:s13+s4], $0x80, v3, vm0, $0xb8;
	[tilespmem:$0x1F880] =	vst v63  }
0x24f: {  	s22 =	simm.s32 $0xCC80  }
0x250: {  	[tilespmem:s22], [sflag:$0x1] =	stream.indirect_vreg.gather [hbm4b:s14+s4], $0x80, v3, vm0, $0xb8;
	[tilespmem:$0x1F880] =	vst v63  }
0x251: {  	s29 =	simm.s32 $0xD480  }
0x252: {  	[tilespmem:s29], [sflag:$0x1] =	stream.indirect_vreg.gather [hbm4b:s15+s4], $0x80, v3, vm0, $0xb8;
	[tilespmem:$0x1F880] =	vst v63  }
0x253: {  	s22 =	simm.s32 $0xDC80  }
0x254: {  	[tilespmem:s22], [sflag:$0x1] =	stream.indirect_vreg.gather [hbm4b:s16+s4], $0x80, v3, vm0, $0xb8;
	[tilespmem:$0x1F880] =	vst v63  }
0x255: {  	s29 =	simm.s32 $0xE480  }
0x256: {  	[tilespmem:s29], [sflag:$0x1] =	stream.indirect_vreg.gather [hbm4b:s17+s4], $0x80, v3, vm0, $0xb8;
	[tilespmem:$0x1F880] =	vst v63  }
0x257: {  	s22 =	simm.s32 $0xEC80  }
0x258: {  	[tilespmem:s22], [sflag:$0x1] =	stream.indirect_vreg.gather [hbm4b:s18+s4], $0x80, v3, vm0, $0xb8;
	[tilespmem:$0x1F880] =	vst v63  }
0x259: {  	s29 =	simm.s32 $0xF480  }
0x25a: {  	[tilespmem:s29], [sflag:$0x1] =	stream.indirect_vreg.gather [hbm4b:s19+s4], $0x80, v3, vm1, $0xb8;
	[tilespmem:$0x1F880] =	vst v63  }
0x25b: {  	_ =	swait.ge [sflag:s3], $0xF800  }
0x25c: {  	[sflag:s3] =	ssyncset.done $0x0  }
0x25d: {  	[sflag:s3] =	ssyncadd.s32 $0xFFFF0800  }
0x25e: {  	_ =	swait.ge [sflag:s26], $0x800  }
0x25f: {  	s1 =	simm.s32 $0x8000;
	[sflag:s26] =	ssyncset.done $0x0  }
0x260: {  	s29 =	simm.s32 $0xF880;
	s0 =	rddreg [dreg:$0x10];
	[sflag:s26] =	ssyncadd.s32 $0xFFFFF800  }
0x261: {  	[hbm4b:s0+s28] =	stream.strided.scatter [tilespmem:s29], [sflag:$0x5], $0xF800, s1, s28, $0x38;
	[tilespmem:$0x1F880] =	vst v63  }
0x262: {  	s22 =	rddreg [dreg:$0x11]  }
0x263: {  	[hbm4b:s22+s25] =	stream.strided.scatter [tilespmem:s30], [sflag:$0x6], $0x800, s1, s25, $0x38;
	[tilespmem:$0x1F880] =	vst v63  }
0x264: {  	_ =	swait.ge [sflag:s31], $0x800  }
0x265: {  	[sflag:s31] =	ssyncset.done $0x0  }
0x266: {  	s22 =	rddreg [dreg:$0x1a];
	[sflag:s31] =	ssyncadd.s32 $0xFFFFF800  }
0x267: {  	[tilespmem:s30], [sflag:$0x3] =	stream.indirect.gather [hbm4b:s21+s20], $0x80, s22, s20, $0xb8;
	[tilespmem:$0x1F880] =	vst v63  }
0x268: {  	_ =	swait.ge [sflag:s2], $0xF800  }
0x269: {  	[sflag:s2] =	ssyncset.done $0x0  }
0x26a: {  	[sflag:s2] =	ssyncadd.s32 $0xFFFF0800  }
0x26b: {  	v3 =	vld [tilespmem:$0x70];
	_ =	sdelay $0x4  }
0x26c: {  	v63 =	vshll.u32 v3, $0x5  }
0x26d: {  	v3 =	vand.u32 $0x7, v3;
	v4 =	vand.u32 $0xFFFFFF00, v63  }
0x26e: {  	v3 =	vor.u32 v3, v4  }
0x26f: {  	v4 =	vperm.xlane v3, v0;
	_ =	sdelay $0x1  }
0x270: {  	v4 =	vadd.s32 v1, v4;
	_ =	sdelay $0x4  }
0x271: {  	[tilespmem:s29], [sflag:$0x2] =	stream.indirect_vreg.gather [hbm4b:s24+s4], $0x80, v4, vm0, $0xb8;
	[tilespmem:$0x1F880] =	vst v63  }
0x272: {  	s20 =	simm.s32 $0x10080  }
0x273: {  	[tilespmem:s20], [sflag:$0x2] =	stream.indirect_vreg.gather [hbm4b:s5+s4], $0x80, v4, vm0, $0xb8;
	[tilespmem:$0x1F880] =	vst v63  }
0x274: {  	s22 =	simm.s32 $0x10880  }
0x275: {  	[tilespmem:s22], [sflag:$0x2] =	stream.indirect_vreg.gather [hbm4b:s6+s4], $0x80, v4, vm0, $0xb8;
	[tilespmem:$0x1F880] =	vst v63  }
0x276: {  	s20 =	simm.s32 $0x11080  }
0x277: {  	[tilespmem:s20], [sflag:$0x2] =	stream.indirect_vreg.gather [hbm4b:s7+s4], $0x80, v4, vm0, $0xb8;
	[tilespmem:$0x1F880] =	vst v63  }
0x278: {  	s22 =	simm.s32 $0x11880  }
0x279: {  	[tilespmem:s22], [sflag:$0x2] =	stream.indirect_vreg.gather [hbm4b:s8+s4], $0x80, v4, vm0, $0xb8;
	[tilespmem:$0x1F880] =	vst v63  }
0x27a: {  	s20 =	simm.s32 $0x12080  }
0x27b: {  	[tilespmem:s20], [sflag:$0x2] =	stream.indirect_vreg.gather [hbm4b:s9+s4], $0x80, v4, vm0, $0xb8;
	[tilespmem:$0x1F880] =	vst v63  }
0x27c: {  	s22 =	simm.s32 $0x12880  }
0x27d: {  	[tilespmem:s22], [sflag:$0x2] =	stream.indirect_vreg.gather [hbm4b:s10+s4], $0x80, v4, vm0, $0xb8;
	[tilespmem:$0x1F880] =	vst v63  }
0x27e: {  	s20 =	simm.s32 $0x13080  }
0x27f: {  	[tilespmem:s20], [sflag:$0x2] =	stream.indirect_vreg.gather [hbm4b:s11+s4], $0x80, v4, vm0, $0xb8;
	[tilespmem:$0x1F880] =	vst v63  }
0x280: {  	s22 =	simm.s32 $0x13880  }
0x281: {  	[tilespmem:s22], [sflag:$0x2] =	stream.indirect_vreg.gather [hbm4b:s12+s4], $0x80, v4, vm0, $0xb8;
	[tilespmem:$0x1F880] =	vst v63  }
0x282: {  	s20 =	simm.s32 $0x14080  }
0x283: {  	[tilespmem:s20], [sflag:$0x2] =	stream.indirect_vreg.gather [hbm4b:s13+s4], $0x80, v4, vm0, $0xb8;
	[tilespmem:$0x1F880] =	vst v63  }
0x284: {  	s22 =	simm.s32 $0x14880  }
0x285: {  	[tilespmem:s22], [sflag:$0x2] =	stream.indirect_vreg.gather [hbm4b:s14+s4], $0x80, v4, vm0, $0xb8;
	[tilespmem:$0x1F880] =	vst v63  }
0x286: {  	s20 =	simm.s32 $0x15080  }
0x287: {  	[tilespmem:s20], [sflag:$0x2] =	stream.indirect_vreg.gather [hbm4b:s15+s4], $0x80, v4, vm0, $0xb8;
	[tilespmem:$0x1F880] =	vst v63  }
0x288: {  	s22 =	simm.s32 $0x15880  }
0x289: {  	[tilespmem:s22], [sflag:$0x2] =	stream.indirect_vreg.gather [hbm4b:s16+s4], $0x80, v4, vm0, $0xb8;
	[tilespmem:$0x1F880] =	vst v63  }
0x28a: {  	v3 =	vperm.xlane v3, v2;
	s20 =	simm.s32 $0x16080  }
0x28b: {  	[tilespmem:s20], [sflag:$0x2] =	stream.indirect_vreg.gather [hbm4b:s17+s4], $0x80, v4, vm0, $0xb8;
	[tilespmem:$0x1F880] =	vst v63  }
0x28c: {  	v3 =	vadd.s32 v1, v3;
	s22 =	simm.s32 $0x16880  }
0x28d: {  	[tilespmem:s22], [sflag:$0x2] =	stream.indirect_vreg.gather [hbm4b:s18+s4], $0x80, v4, vm0, $0xb8;
	[tilespmem:$0x1F880] =	vst v63  }
0x28e: {  	s20 =	simm.s32 $0x17080  }
0x28f: {  	[tilespmem:s20], [sflag:$0x2] =	stream.indirect_vreg.gather [hbm4b:s19+s4], $0x80, v4, vm1, $0xb8;
	[tilespmem:$0x1F880] =	vst v63  }
0x290: {  	s22 =	simm.s32 $0x17480  }
0x291: {  	[tilespmem:s22], [sflag:$0x2] =	stream.indirect_vreg.gather [hbm4b:s24+s4], $0x80, v3, vm0, $0xb8;
	[tilespmem:$0x1F880] =	vst v63  }
0x292: {  	s24 =	simm.s32 $0x17C80  }
0x293: {  	[tilespmem:s24], [sflag:$0x2] =	stream.indirect_vreg.gather [hbm4b:s5+s4], $0x80, v3, vm0, $0xb8;
	[tilespmem:$0x1F880] =	vst v63  }
0x294: {  	s20 =	simm.s32 $0x18480  }
0x295: {  	[tilespmem:s20], [sflag:$0x2] =	stream.indirect_vreg.gather [hbm4b:s6+s4], $0x80, v3, vm0, $0xb8;
	[tilespmem:$0x1F880] =	vst v63  }
0x296: {  	s22 =	simm.s32 $0x18C80  }
0x297: {  	[tilespmem:s22], [sflag:$0x2] =	stream.indirect_vreg.gather [hbm4b:s7+s4], $0x80, v3, vm0, $0xb8;
	[tilespmem:$0x1F880] =	vst v63  }
0x298: {  	s24 =	simm.s32 $0x19480  }
0x299: {  	[tilespmem:s24], [sflag:$0x2] =	stream.indirect_vreg.gather [hbm4b:s8+s4], $0x80, v3, vm0, $0xb8;
	[tilespmem:$0x1F880] =	vst v63  }
0x29a: {  	s20 =	simm.s32 $0x19C80  }
0x29b: {  	[tilespmem:s20], [sflag:$0x2] =	stream.indirect_vreg.gather [hbm4b:s9+s4], $0x80, v3, vm0, $0xb8;
	[tilespmem:$0x1F880] =	vst v63  }
0x29c: {  	s22 =	simm.s32 $0x1A480  }
0x29d: {  	[tilespmem:s22], [sflag:$0x2] =	stream.indirect_vreg.gather [hbm4b:s10+s4], $0x80, v3, vm0, $0xb8;
	[tilespmem:$0x1F880] =	vst v63  }
0x29e: {  	s24 =	simm.s32 $0x1AC80  }
0x29f: {  	[tilespmem:s24], [sflag:$0x2] =	stream.indirect_vreg.gather [hbm4b:s11+s4], $0x80, v3, vm0, $0xb8;
	[tilespmem:$0x1F880] =	vst v63  }
0x2a0: {  	s20 =	simm.s32 $0x1B480  }
0x2a1: {  	[tilespmem:s20], [sflag:$0x2] =	stream.indirect_vreg.gather [hbm4b:s12+s4], $0x80, v3, vm0, $0xb8;
	[tilespmem:$0x1F880] =	vst v63  }
0x2a2: {  	s22 =	simm.s32 $0x1BC80  }
0x2a3: {  	[tilespmem:s22], [sflag:$0x2] =	stream.indirect_vreg.gather [hbm4b:s13+s4], $0x80, v3, vm0, $0xb8;
	[tilespmem:$0x1F880] =	vst v63  }
0x2a4: {  	s24 =	simm.s32 $0x1C480  }
0x2a5: {  	[tilespmem:s24], [sflag:$0x2] =	stream.indirect_vreg.gather [hbm4b:s14+s4], $0x80, v3, vm0, $0xb8;
	[tilespmem:$0x1F880] =	vst v63  }
0x2a6: {  	s20 =	simm.s32 $0x1CC80  }
0x2a7: {  	[tilespmem:s20], [sflag:$0x2] =	stream.indirect_vreg.gather [hbm4b:s15+s4], $0x80, v3, vm0, $0xb8;
	[tilespmem:$0x1F880] =	vst v63  }
0x2a8: {  	s22 =	simm.s32 $0x1D480  }
0x2a9: {  	[tilespmem:s22], [sflag:$0x2] =	stream.indirect_vreg.gather [hbm4b:s16+s4], $0x80, v3, vm0, $0xb8;
	[tilespmem:$0x1F880] =	vst v63  }
0x2aa: {  	s24 =	simm.s32 $0x1DC80  }
0x2ab: {  	[tilespmem:s24], [sflag:$0x2] =	stream.indirect_vreg.gather [hbm4b:s17+s4], $0x80, v3, vm0, $0xb8;
	[tilespmem:$0x1F880] =	vst v63  }
0x2ac: {  	s20 =	simm.s32 $0x1E480  }
0x2ad: {  	[tilespmem:s20], [sflag:$0x2] =	stream.indirect_vreg.gather [hbm4b:s18+s4], $0x80, v3, vm0, $0xb8;
	[tilespmem:$0x1F880] =	vst v63  }
0x2ae: {  	s22 =	simm.s32 $0x1EC80;
	s24 =	simm.s32 $0x1  }
0x2af: {  	[tilespmem:s22], [sflag:$0x2] =	stream.indirect_vreg.gather [hbm4b:s19+s4], $0x80, v3, vm1, $0xb8;
	[tilespmem:$0x1F880] =	vst v63  }
0x2b0: {  	_ =	swait.ge [sflag:s24], $0xF800  }
0x2b1: {  	s20 =	simm.s32 $0x1;
	[sflag:s24] =	ssyncset.done $0x0  }
0x2b2: {  	[sflag:s20] =	ssyncadd.s32 $0xFFFF0800  }
0x2b3: {  	s20 =	rddreg [dreg:$0x1c];
	_ =	swait.ge [sflag:s26], $0x800  }
0x2b4: {  	[sflag:s26] =	ssyncset.done $0x0  }
0x2b5: {  	s24 =	simm.s32 $0x80;
	s0 =	rddreg [dreg:$0x12];
	[sflag:s26] =	ssyncadd.s32 $0xFFFFF800  }
0x2b6: {  	[hbm4b:s0+s28] =	stream.strided.scatter [tilespmem:s24], [sflag:$0x4], $0xF800, s1, s28, $0x38;
	[tilespmem:$0x1F880] =	vst v63  }
0x2b7: {  	s25 =	simm.s32 $0x400;
	s22 =	rddreg [dreg:$0x13]  }
0x2b8: {  	[hbm4b:s22+s25] =	stream.strided.scatter [tilespmem:s30], [sflag:$0x6], $0x800, s1, s25, $0x38;
	[tilespmem:$0x1F880] =	vst v63  }
0x2b9: {  	_ =	swait.ge [sflag:s31], $0x800  }
0x2ba: {  	[sflag:s31] =	ssyncset.done $0x0  }
0x2bb: {  	s24 =	simm.s32 $0x10;
	s22 =	rddreg [dreg:$0x1b];
	[sflag:s31] =	ssyncadd.s32 $0xFFFFF800  }
0x2bc: {  	[tilespmem:s30], [sflag:$0x3] =	stream.indirect.gather [hbm4b:s21+s24], $0x80, s22, s24, $0xb8;
	[tilespmem:$0x1F880] =	vst v63  }
0x2bd: {  	_ =	swait.ge [sflag:s3], $0xF800  }
0x2be: {  	[sflag:s3] =	ssyncset.done $0x0  }
0x2bf: {  	[sflag:s3] =	ssyncadd.s32 $0xFFFF0800  }
0x2c0: {  	_ =	swait.ge [sflag:s26], $0x800  }
0x2c1: {  	[sflag:s26] =	ssyncset.done $0x0  }
0x2c2: {  	s29 =	simm.s32 $0xF880;
	s22 =	rddreg [dreg:$0x14];
	[sflag:s26] =	ssyncadd.s32 $0xFFFFF800  }
0x2c3: {  	[hbm4b:s22+s28] =	stream.strided.scatter [tilespmem:s29], [sflag:$0x5], $0xF800, s1, s28, $0x38;
	[tilespmem:$0x1F880] =	vst v63  }
0x2c4: {  	s24 =	rddreg [dreg:$0x15]  }
0x2c5: {  	[hbm4b:s24+s25] =	stream.strided.scatter [tilespmem:s30], [sflag:$0x6], $0x800, s1, s25, $0x38;
	[tilespmem:$0x1F880] =	vst v63  }
0x2c6: {  	_ =	swait.ge [sflag:s23], $0xF800  }
0x2c7: {  	[sflag:s23] =	ssyncset.done $0x0  }
0x2c8: {  	[sflag:s23] =	ssyncadd.s32 $0xFFFF0800  }
0x2c9: {  	p0 =	sne.s32 s20, $0x1;
	_ =	swait.ge [sflag:s2], $0xF800  }
.Ltmp0:
0x2ca: {  	[sflag:s2] =	ssyncset.done $0x0;
	(pc) =	sbr.rel @p0 .LBB2_1-.Ltmp0, $4  }
0x2cb: {  	[sflag:s2] =	ssyncadd.s32 $0xFFFF0800  }
0x2cc: {  	_ =	swait.ge [sflag:s31], $0x800  }
0x2cd: {  	[sflag:s31] =	ssyncset.done $0x0  }
0x2ce: {  	s20 =	sadd.s32 $0xFFFFFFFF, s20;
	[sflag:s31] =	ssyncadd.s32 $0xFFFFF800  }
0x2cf: {  	_ =	sfence.sel $0x180000  }
0x2d0: {  	[bflag:$0x0] =	sbarrier.arrive $0xFFFF  }
0x2d1: {  	_ =	strace $0x90000047  }
0x2d2: {  	s0 =	stileid.u32;
	[bflag:$0x2] =	sbarrier.arrive $0xFFFF  }
0x2d3: {  	p0 =	sne.s32 s0, $0x0;
	s0 =	rddreg [dreg:$0x4]  }
0x2d4: {  	s0 =	sadd.s32 @!p0 $0x100000, s0  }
0x2d5: {  	[sflag:s0] =	ssyncadd.tile.s32 @!p0 $0x1;
	_ =	shalt  }
.Lfunc_end2:
_tile_overlayer_lowered:
.L_overlay_start_2:
0x2d6: {  	(tag) =	ssettag $0x2  }
0x2d7: {  	s0 =	rddreg [dreg:$0x0];
	s2 =	stileid.u32  }
0x2d8: {  	s1 =	rddreg [dreg:$0x1];
	p0 =	sne.s32 s2, $0x0  }
0x2d9: {  	s3 =	rddreg [dreg:$0x2];
	[bflag:$0x3] =	sbarrier.arrive $0xFFFF;
	s2 =	simm.s32 @!p0 $0x1C07  }
0x2da: {  	[timem:s3], [sflag:s2] =	dma.local @!p0 [hbm:s0], s1  }
0x2db: {  	s0 =	simm.s32 @!p0 $0x7  }
0x2dc: {  	_ =	swait.ge @!p0 [sflag:s0], s1  }
0x2dd: {  	s1 =	ssub.s32 @!p0 $0x0, s1;
	[sflag:s0] =	ssyncset.done @!p0 $0x0  }
0x2de: {  	[sflag:s0] =	ssyncadd.s32 @!p0 s1  }
0x2df: {  	[bflag:$0x3] =	sbarrier.arrive $0xFFFF  }
0x2e0: {  	_ =	shalt  }

// kernel: sparse-core-data-format-call.cloned.1.call-start
scs
called_computation_lowered:
.L_overlay_start_0:
0x0: {  	s2 =	sld [smem:$0x3FD9]  }
0x1: {  	s3 =	sld [smem:$0x3FFE];
	_ =	sdelay $0x1  }
0x2: {  	s1 =	srdreg.scid  }
0x3: {  	s0 =	sand.u32 $0x1, s1  }
0x4: {  	s18 =	sshll.u32 s0, $0xA;
	s2 =	sadd.s32 s3, s2  }
0x5: {  	s2 =	sadd.s32 s2, s18  }
0x6: {  	[smem:$0x3FC6] =	sst s2  }
0x7: {  	_ = 	snop  }
0x8: {  	s2 =	sld [smem:$0x3FD0];
	(tm) =	ssettm $0x1  }
0x9: {  	s19 =	sld [smem:$0x3FFB];
	_ =	sdelay $0x3  }
0xa: {  	_ =	strace s19  }
0xb: {  	s3 =	sld [smem:$0x3FFC];
	_ =	sdelay $0x3  }
0xc: {  	_ =	strace s3  }
0xd: {  	s3 =	sld [smem:$0x3FFD];
	_ =	sdelay $0x3  }
0xe: {  	_ =	strace s3  }
0xf: {  	_ =	strace $0x8FFFFFFF  }
0x10: {  	s20 =	sld [smem:$0x3FDB];
	_ =	sdelay $0x1  }
0x11: {  	s4 =	simm.s32 $_scs_section_size  }
0x12: {  	s5 =	simm.s32 $_size__tile_overlayer_lowered;
	s6 =	simm.s32 $_tile_overlayer_lowered  }
0x13: {  	s23 =	simm.s32 $0x1BFF;
	s22 =	sshll.u32 s6, $0x1;
	s3 =	sadd.s32 s4, s20  }
0x14: {  	s7 =	simm.s32 $0x0;
	s21 =	sshll.u32 s5, $0x1;
	s5 =	sadd.s32 s22, s3  }
0x15: {  	[timem:s7], [sflag:s23] =	dma.local [hbm:s5], s21  }
0x16: {  	_ =	swait.ge [sflag:s23], s21  }
0x17: {  	s4 =	ssub.s32 $0x0, s21;
	[sflag:s23] =	ssyncset.done $0x0  }
0x18: {  	[sflag:s23] =	ssyncadd.s32 s4;
	_ =	sdelay $0x1  }
0x19: {  	s24 =	simm.s32 $0x1B8B  }
0x1a: {  	_ =	swait.ge [sflag:s24], $0x1  }
0x1b: {  	[sflag:s24] =	ssyncset.done $0x0  }
0x1c: {  	s26 =	simm.s32 $0x1B8E;
	s25 =	sld [smem:$0x3FFE];
	[sflag:s24] =	ssyncadd.s32 $0xFFFFFFFF  }
0x1d: {  	s27 =	simm.s32 $execute0_lowered;
	[smem:$0x3FD2] =	sst s26  }
0x1e: {  	s5 =	sshll.u32 s27, $0x1;
	_ =	strace $0x80000049;
	[dreg:$0x1] =	wrdreg $0xFFFFFFFF  }
0x1f: {  	s28 =	simm.s32 $_size_execute0_lowered;
	s3 =	sadd.s32 s3, s5;
	[dreg:$0x0] =	wrdreg $0x0  }
0x20: {  	s5 =	sshll.u32 s28, $0x1;
	[dreg:$0x2] =	wrdreg s3  }
0x21: {  	[dreg:$0x3] =	wrdreg s5  }
0x22: {  	[dreg:$0x4] =	wrdreg $0xC0  }
0x23: {  	_ =	task [dreg:s7], $0x5FFFF  }
0x24: {  	[dreg:$0x1] =	wrdreg $0xFFFFFFFF  }
0x25: {  	[dreg:$0x0] =	wrdreg $0x60  }
0x26: {  	[dreg:$0x2] =	wrdreg s25  }
0x27: {  	[dreg:$0x3] =	wrdreg s2  }
0x28: {  	[dreg:$0x4] =	wrdreg $0x9  }
0x29: {  	_ =	task.clear_ibuf [dreg:s7], $0x5FFFF;
	_ =	strace $0x90000049  }
0x2a: {  	s29 =	simm.s32 $0x9;
	_ =	strace $0x8000004B  }
0x2b: {  	_ =	swait.ge [sflag:s29], $0x1  }
0x2c: {  	[sflag:s29] =	ssyncadd.s32 $0xFFFFFFFF  }
0x2d: {  	_ =	strace $0x9000004B  }
0x2e: {  	_ =	sfence  }
0x2f: {  	s30 =	sld [smem:$0x0];
	_ =	sdelay $0x2  }
0x30: {  	s31 =	sshll.u32 s1, $0xD;
	s1 =	sshrl.u32 s1, $0x2  }
0x31: {  	s3 =	sand.u32 $0x4000, s31;
	s1 =	sadd.s32 s1, s30  }
0x32: {  	s0 =	sor.u32 s3, s0;
	s1 =	sshll.u32 s1, $0x11  }
0x33: {  	s0 =	sor.u32 s1, s0  }
0x34: {  	s0 =	sadd.s32 $0x8F2B, s0  }
0x35: {  	[sflag:s0] =	ssyncadd.remote.s32 $0x1  }
0x36: {  	_ =	sfence.sel $0xFFFF  }
0x37: {  	[dreg:$0x0] =	wrdreg $0xFFFFFFFF;
	(pc) =	sbr.abs _section_cstart, $3  }
0x38: {  	[dreg:$0x1] =	wrdreg $0xFFFFFFFF  }
0x39: {  	_ =	task.clear_ibuf [dreg:s7], $0x2FFFF;
	_ =	strace $0x9FFFFFFF  }
0x3a: {  	(tm) =	ssettm $0x7FFFFFFF  }
0x3b: {  	_ =	shalt  }
tec
execute0_lowered:
.L_overlay_start_1:
0x0: {  	(tag) =	ssettag $0x1  }
0x1: {  	s0 =	srdreg.scid;
	s5 =	rddreg [dreg:$0x0]  }
0x2: {  	s3 =	rddreg [dreg:$0x1];
	s1 =	sshll.u32 s0, $0x4  }
0x3: {  	s7 =	simm.s32 $0x1;
	s0 =	stileid.u32;
	s1 =	sand.u32 $0x10, s1  }
0x4: {  	s8 =	simm.s32 $0x2;
	s15 =	simm.s32 $0x0;
	s1 =	sor.u32 s0, s1  }
0x5: {  	s14 =	simm.s32 $0x0;
	s9 =	simm.s32 $0x0;
	s2 =	sshll.u32 s1, $0x7  }
0x6: {  	s10 =	simm.s32 $0x0;
	s11 =	simm.s32 $0x0;
	s6 =	ssub.s32 $0x1000, s2  }
0x7: {  	s13 =	simm.s32 $0x0;
	s5 =	sadd.s32 $0x800, s5;
	s4 =	sand.u32 $0xF80, s6  }
.Ltmp0:
0x8: {  	s1 =	rddreg [dreg:$0x2];
	p0 =	sne.s32 s4, $0x0;
	(pc) =	sbr.rel .LBB1_1-.Ltmp0, $4  }
0x9: {  	_ =	strace $0x8000004A;
	s6 =	sshrl.u32 s6, $0xC;
	s7 =	simm.s32 @!p0 $0x0  }
0xa: {  	s12 =	smov.u32 s2;
	s4 =	simm.s32 $0x1;
	s6 =	sadd.s32 s7, s6  }
0xb: {  	[sflag:s4] =	ssyncpa.u1 $0x0;
	p0 =	por $0x0, $0x0;
	s6 =	sshll.u32 s6, $0x5  }
0xc: {  	[sflag:s8] =	ssyncpa.u1 $0x0;
	s8 =	simm.s32 $0x8000;
	s7 =	sor.u32 $0x1, s6  }
.LBB1_4:
0xd: {  	s20 =	sshra.s32 s20, $0x2  }
0xe: {  	s28 =	sand.u32 $0x78, s10;
	s21 =	sshll.u32 s9, $0xC;
	s22 =	sshll.u32 s10, $0x3  }
0xf: {  	s24 =	sshll.u32 s9, $0x7;
	p1 =	sgt.s32 s9, $0xF20;
	s30 =	sshra.s32 s9, $0x1F  }
0x10: {  	s26 =	sshra.s32 s10, $0x1F;
	s19 =	sadd.s32 s20, s19;
	s21 =	sand.u32 $0xFFFF8000, s21  }
0x11: {  	v5 =	vld [tilespmem:s17+$0xFFFFFFD0];
	[tilespmem:s18+$0x2040 ss:$0x81] =	vst.msk $0xffff, v4;
	s23 =	sand.u32 $0xFFFFFC00, s22;
	s29 =	sand.u32 $0x380, s24;
	s22 =	sand.u32 $0xC00, s22  }
0x12: {  	v58 =	vld [tilespmem:s17+$0xFFFFFFE0];
	[tilespmem:s18+$0x2850 ss:$0x81] =	vst.msk $0xffff, v3;
	s21 =	sadd.s32 s23, s21;
	s20 =	sor.u32 s28, s22;
	s22 =	smov.u32 s9  }
0x13: {  	v59 =	vld [tilespmem:s17+$0xFFFFFFF0];
	[tilespmem:s18+$0x3060 ss:$0x81] =	vst.msk $0xffff, v2;
	s24 =	sand.u32 s30, s9;
	s21 =	sshrl.u32 s21, $0xC;
	s22 =	simm.s32 @!p1 $0xF20  }
0x14: {  	v60 =	vld [tilespmem:s17+$0x0];
	[tilespmem:s18+$0x0 ss:$0x81] =	vst.msk $0xffff, v1;
	p1 =	sgt.s32 s10, $0xF80;
	s31 =	ssub.s32 s22, s24;
	s22 =	smov.u32 s10  }
0x15: {  	v61 =	vld [tilespmem:s17+$0x10];
	[tilespmem:s19+$0x3870 ss:$0x81] =	vst.msk $0xffff, v0;
	s25 =	smulhi.u32 $0x10624E, s21;
	s24 =	sand.u32 s26, s10;
	s22 =	simm.s32 @!p1 $0xF80  }
0x16: {  	v62 =	vld [tilespmem:s17+$0x20];
	s20 =	sor.u32 s29, s20;
	[tilespmem:s19+$0x810 ss:$0x81] =	vst.msk $0xffff, v5;
	s27 =	sadd.s32 $0xFFFFF0E0, s31;
	s22 =	ssub.s32 s22, s24  }
0x17: {  	v63 =	vld [tilespmem:s17+$0xFFFFFFC0];
	[tilespmem:s19+$0x1020 ss:$0x81] =	vst.msk $0xffff, v58;
	s18 =	ssub.s32 $0xFA0, s31;
	s28 =	smul.u32 $0xFA0, s25;
	s29 =	sadd.s32 $0xFFFFF080, s22  }
0x18: {  	[tilespmem:s19+$0x1830 ss:$0x81] =	vst.msk $0xffff, v59;
	p1 =	sgt.s32 s27, $0x7F;
	s22 =	ssub.s32 $0x1000, s22;
	p2 =	sgt.s32 s29, $0x7F  }
0x19: {  	s30 =	sand.u32 $0x7, s10;
	[tilespmem:s19+$0x2040 ss:$0x81] =	vst.msk $0xffff, v60;
	s18 =	simm.s32 @p1 $0x0;
	s22 =	simm.s32 @p2 $0x0  }
0x1a: {  	s20 =	sshrl.u32 s20, $0x3;
	[tilespmem:s19+$0x2850 ss:$0x81] =	vst.msk $0xffff, v61;
	s17 =	ssub.s32 s21, s28;
	s18 =	smul.u32 s22, s18  }
0x1b: {  	[tilespmem:s19+$0x3060 ss:$0x81] =	vst.msk $0xffff, v62;
	s20 =	sadd.s32 s3, s20;
	s21 =	sshll.u32 s30, $0x12;
	s17 =	sshll.u32 s17, $0x9  }
0x1c: {  	[tilespmem:s19+$0x0 ss:$0x81] =	vst.msk $0xffff, v63;
	s31 =	sor.u32 $0x400, s21;
	s17 =	sadd.s32 s17, s20;
	s18 =	sand.u32 $0x3FFFFFFF, s18  }
0x1d: {  	[hbm4b:s17+s31] =	stream.strided.scatter [tilespmem:s16], [sflag:$0x2], s18, s8, s31, $0x20;
	[tilespmem:$0x10100] =	vst v63  }
.LBB1_5:
0x1e: {  	p1 =	slt.u32 s13, $0x2  }
0x1f: {  	s17 =	smov.u32 s15;
	p2 =	sgt.s32 @!p1 s15, $0xF20;
	s16 =	sshra.s32 @!p1 s15, $0x1F  }
0x20: {  	p3 =	sgt.s32 @!p1 s14, $0xF80;
	s18 =	sshra.s32 @!p1 s14, $0x1F;
	p2 =	por !p2, p1  }
0x21: {  	s15 =	sand.u32 @!p1 s16, s15;
	p3 =	por !p3, p1;
	s16 =	smov.u32 s14  }
0x22: {  	s14 =	sand.u32 @!p1 s18, s14;
	s17 =	simm.s32 @p2 $0xF20;
	s16 =	simm.s32 @p3 $0xF80  }
0x23: {  	s15 =	ssub.s32 @!p1 s17, s15;
	s14 =	ssub.s32 @!p1 s16, s14  }
0x24: {  	s18 =	smov.u32 s12;
	s16 =	sadd.s32 @!p1 $0xFFFFF0E0, s15;
	s17 =	sadd.s32 @!p1 $0xFFFFF080, s14  }
0x25: {  	s15 =	ssub.s32 @!p1 $0xFA0, s15;
	p2 =	sgt.s32 @!p1 s16, $0x7F;
	p3 =	sgt.s32 @!p1 s17, $0x7F  }
0x26: {  	s14 =	ssub.s32 @!p1 $0x1000, s14;
	p2 =	por !p2, p1;
	p3 =	por !p3, p1  }
0x27: {  	s16 =	sadd.s32 $0x80, s11;
	s15 =	simm.s32 @!p2 $0x0;
	s14 =	simm.s32 @!p3 $0x0  }
0x28: {  	p2 =	sgt.s32 s16, $0xF9F;
	s14 =	smul.u32 @!p1 s14, s15;
	s15 =	sadd.s32 $0x1000, s12  }
0x29: {  	s18 =	smov.u32 @p2 s15  }
0x2a: {  	s16 =	simm.s32 @p2 $0x0;
	p2 =	sgt.s32 s18, $0xFFF  }
0x2b: {  	s18 =	smov.u32 @p2 s2;
	p2 =	sne.s32 s13, s7  }
.Ltmp1:
0x2c: {  	p0 =	por !p0, !p0;
	s17 =	simm.s32 @!p1 $0x2;
	(pc) =	sbr.rel @!p2 .LBB1_6-.Ltmp1, $4  }
0x2d: {  	s15 =	smov.u32 s9;
	s9 =	smov.u32 s11;
	s14 =	sand.u32 @!p1 $0x3FFFFFFF, s14  }
0x2e: {  	s11 =	smov.u32 s16;
	_ =	swait.ge @!p1 [sflag:s17], s14;
	s19 =	ssub.s32 @!p1 $0x0, s14  }
0x2f: {  	s14 =	smov.u32 s10;
	s13 =	sadd.s32 $0x1, s13;
	[sflag:s17] =	ssyncset.done @!p1 $0x0  }
0x30: {  	s10 =	smov.u32 s12;
	s12 =	smov.u32 s18;
	[sflag:s17] =	ssyncadd.s32 @!p1 s19  }
.LBB1_1:
0x31: {  	p1 =	sge.u32 s13, s6;
	s31 =	sadd.s32 $0xFFFFFFFF, s13  }
0x32: {  	s16 =	sand.u32 @!p1 $0x78, s11;
	s17 =	sshll.u32 @!p1 s12, $0xC;
	s18 =	sshll.u32 @!p1 s12, $0x7  }
0x33: {  	s19 =	sshll.u32 @!p1 s11, $0x3;
	s17 =	sand.u32 @!p1 $0xFF8000, s17;
	s18 =	sand.u32 @!p1 $0x380, s18  }
0x34: {  	s17 =	sadd.s32 @!p1 s17, s19;
	s19 =	sand.u32 @!p1 $0xC00, s19;
	s16 =	sor.u32 @!p1 s18, s16  }
0x35: {  	s18 =	sxor.u32 @!p1 $0xFFFFFFFF, s13;
	s17 =	sand.u32 @!p1 $0xFFF000, s17;
	s16 =	sor.u32 @!p1 s19, s16  }
0x36: {  	s18 =	sshll.u32 @!p1 s18, $0xE;
	s16 =	sor.u32 @!p1 s17, s16;
	s17 =	sand.u32 @!p1 $0x7, s11  }
0x37: {  	s19 =	simm.s32 @!p1 $0x8000;
	s16 =	sshrl.u32 @!p1 s16, $0x3;
	s17 =	sshll.u32 @!p1 s17, $0x12  }
0x38: {  	s18 =	sand.u32 @!p1 $0x4000, s18;
	s16 =	sadd.s32 @!p1 s5, s16;
	s17 =	sor.u32 @!p1 $0x400, s17  }
0x39: {  	[tilespmem:s18], [sflag:$0x1] =	stream.strided.gather @!p1 [hbm4b:s16+s17], $0x4000, s19, s17, $0x38;
	[tilespmem:$0x10100] =	vst v63  }
0x3a: {  	p1 =	sge.u32 s31, s6  }
.Ltmp2:
0x3b: {  	_ = 	snop;
	(pc) =	sbr.rel @p1 .LBB1_5-.Ltmp2, $1  }
0x3c: {  	_ =	sdelay $0x3  }
0x3d: {  	s16 =	simm.s32 $0x1  }
0x3e: {  	_ =	swait.ge [sflag:s4], $0x4000;
	s16 =	simm.s32 @!p0 $0x0  }
0x3f: {  	[sflag:s4] =	ssyncset.done $0x0;
	s17 =	sshll.u32 s16, $0xE  }
0x40: {  	[sflag:s4] =	ssyncadd.s32 $0xFFFFC000;
	s17 =	sor.u32 $0x40, s17  }
0x41: {  	s16 =	smul.u32 $0x10200, s16;
	v0 =	vld [tilespmem:s17+$0x30]  }
0x42: {  	v1 =	vld [tilespmem:s17+$0xFFFFFFD0]  }
0x43: {  	s16 =	sshrl.u32 s16, $0x2;
	v5 =	vld [tilespmem:s17+$0xFFFFFFE0]  }
0x44: {  	v6 =	vld [tilespmem:s17+$0xFFFFFFF0];
	s19 =	sor.u32 $0x8000, s16  }
0x45: {  	s31 =	sand.u32 $0x1, s13;
	v4 =	vld [tilespmem:s17+$0x0];
	s18 =	sadd.s32 $0x0, s19  }
0x46: {  	v3 =	vld [tilespmem:s17+$0x10];
	s16 =	smul.u32 $0x10200, s31;
	[tilespmem:s18+$0x3870 ss:$0x81] =	vst.msk $0xffff, v0  }
0x47: {  	v2 =	vld [tilespmem:s17+$0x20];
	[tilespmem:s18+$0x810 ss:$0x81] =	vst.msk $0xffff, v1  }
0x48: {  	s16 =	sshrl.u32 s16, $0x2;
	v1 =	vld [tilespmem:s17+$0xFFFFFFC0];
	[tilespmem:s18+$0x1020 ss:$0x81] =	vst.msk $0xffff, v5;
	s17 =	sadd.s32 $0x80, s17  }
0x49: {  	s20 =	simm.s32 $0x4;
	s21 =	simm.s32 $0x8;
	s16 =	sor.u32 $0x8000, s16;
	[tilespmem:s18+$0x1830 ss:$0x81] =	vst.msk $0xffff, v6;
	v0 =	vld [tilespmem:s17+$0x30]  }
.LBB1_3:
0x4a: {  	p1 =	sne.s32 s21, $0x1FC;
	v5 =	vld [tilespmem:s17+$0xFFFFFFD0];
	[tilespmem:s18+$0x2040 ss:$0x81] =	vst.msk $0xffff, v4  }
0x4b: {  	v6 =	vld [tilespmem:s17+$0xFFFFFFE0];
	[tilespmem:s18+$0x2850 ss:$0x81] =	vst.msk $0xffff, v3  }
0x4c: {  	s22 =	sshra.s32 s20, $0x2;
	s20 =	smov.u32 s21;
	v7 =	vld [tilespmem:s17+$0xFFFFFFF0];
	[tilespmem:s18+$0x3060 ss:$0x81] =	vst.msk $0xffff, v2  }
.Ltmp3:
0x4d: {  	v4 =	vld [tilespmem:s17+$0x0];
	[tilespmem:s18+$0x0 ss:$0x81] =	vst.msk $0xffff, v1;
	s18 =	sadd.s32 s22, s19;
	(pc) =	sbr.rel @p1 .LBB1_3-.Ltmp3, $4  }
0x4e: {  	v3 =	vld [tilespmem:s17+$0x10];
	[tilespmem:s18+$0x3870 ss:$0x81] =	vst.msk $0xffff, v0  }
0x4f: {  	[tilespmem:s18+$0x810 ss:$0x81] =	vst.msk $0xffff, v5;
	v2 =	vld [tilespmem:s17+$0x20]  }
0x50: {  	v1 =	vld [tilespmem:s17+$0xFFFFFFC0];
	[tilespmem:s18+$0x1020 ss:$0x81] =	vst.msk $0xffff, v6;
	s17 =	sadd.s32 $0x80, s17  }
0x51: {  	s21 =	sadd.s32 $0x4, s21;
	v0 =	vld [tilespmem:s17+$0x30];
	[tilespmem:s18+$0x1830 ss:$0x81] =	vst.msk $0xffff, v7  }
.Ltmp4:
0x52: {  	_ = 	snop;
	(pc) =	sbr.rel .LBB1_4-.Ltmp4, $1  }
0x53: {  	_ =	sdelay $0x3  }
.LBB1_6:
0x54: {  	_ =	sfence.sel $0x180000  }
0x55: {  	s2 =	simm.s32 $0x1;
	[bflag:$0x0] =	sbarrier.arrive $0xFFFF  }
0x56: {  	s31 =	simm.s32 $0x2;
	[sflag:s2] =	ssyncpa.u1 $0x1  }
0x57: {  	[sflag:s31] =	ssyncpa.u1 $0x1  }
0x58: {  	p0 =	sne.s32 s0, $0x0;
	_ =	strace $0x9000004A  }
0x59: {  	s0 =	sadd.s32 @!p0 $0x100000, s1;
	[bflag:$0x2] =	sbarrier.arrive $0xFFFF  }
0x5a: {  	[sflag:s0] =	ssyncadd.tile.s32 @!p0 $0x1;
	_ =	shalt  }
.Lfunc_end1:
_tile_overlayer_lowered:
.L_overlay_start_2:
0x5b: {  	(tag) =	ssettag $0x2  }
0x5c: {  	s0 =	rddreg [dreg:$0x0];
	s2 =	stileid.u32  }
0x5d: {  	s1 =	rddreg [dreg:$0x1];
	p0 =	sne.s32 s2, $0x0  }
0x5e: {  	s3 =	rddreg [dreg:$0x2];
	[bflag:$0x3] =	sbarrier.arrive $0xFFFF;
	s2 =	simm.s32 @!p0 $0x1C01  }
0x5f: {  	[timem:s3], [sflag:s2] =	dma.local @!p0 [hbm:s0], s1  }
0x60: {  	s0 =	simm.s32 @!p0 $0x1  }
0x61: {  	_ =	swait.ge @!p0 [sflag:s0], s1  }
0x62: {  	s1 =	ssub.s32 @!p0 $0x0, s1;
	[sflag:s0] =	ssyncset.done @!p0 $0x0  }
0x63: {  	[sflag:s0] =	ssyncadd.s32 @!p0 s1  }
0x64: {  	[bflag:$0x3] =	sbarrier.arrive $0xFFFF  }
0x65: {  	_ =	shalt  }

</sc_bundles>
